<compile_context>
chip_gen: v7x
topology: tpu7x:2x2x1
jax: 0.10.2.dev20260603
libtpu: 0.0.44.dev20260713+nightly
codegen_flags: <defaults>
</compile_context>

<pallas_src>
import functools
import math

import jax
import jax.numpy as jnp
from jax import lax
from jax.experimental import pallas as pl
from jax.experimental.pallas import tpu as pltpu
from jax.experimental.pallas import tpu_sc as plsc

_NUM_WORKERS = 32
_CHUNK = 512
_LANES = 16


def _emb_lookup(flat_idx, table, *, b_dim, l_dim, d, scale):
    mesh = plsc.VectorSubcoreMesh(core_axis_name="c", subcore_axis_name="s")
    n = b_dim * l_dim
    per_worker = n // _NUM_WORKERS
    nc = per_worker // _CHUNK
    assert nc % 2 == 0 and nc >= 4
    assert b_dim % _CHUNK == 0 and (b_dim & (b_dim - 1)) == 0
    b_shift = b_dim.bit_length() - 1

    @functools.partial(
        pl.kernel,
        mesh=mesh,
        out_type=jax.ShapeDtypeStruct((l_dim, d, b_dim), jnp.float32),
        scratch_types=[
            pltpu.VMEM((per_worker,), jnp.int32),
            [pltpu.VMEM((_CHUNK, d), jnp.float32) for _ in range(2)],
            [pltpu.VMEM((d, _CHUNK + 1), jnp.float32) for _ in range(2)],
            [pltpu.SemaphoreType.DMA for _ in range(2)],
            [pltpu.SemaphoreType.DMA for _ in range(2)],
        ],
        compiler_params=pltpu.CompilerParams(
            use_tc_tiling_on_sc=False, needs_layout_passes=False),
    )
    def body(idx_hbm, table_hbm, out_hbm, idx_v, rows_v, t_v, gsem, wsem):
        wid = lax.axis_index("s") * 2 + lax.axis_index("c")
        base = wid * per_worker
        pltpu.sync_copy(idx_hbm.at[pl.ds(base, per_worker)], idx_v)

        def start_gather(ci, b):
            off = pl.multiple_of(ci * _CHUNK, 8)
            pltpu.async_copy(
                table_hbm.at[idx_v.at[pl.ds(off, _CHUNK)]], rows_v[b], gsem[b])

        def wait_gather(b):
            pltpu.make_async_copy(
                table_hbm.at[idx_v.at[pl.ds(0, _CHUNK)]], rows_v[b],
                gsem[b]).wait()

        def wait_writeback(b):
            pltpu.make_async_copy(
                t_v[b].at[:, pl.ds(0, _CHUNK)],
                out_hbm.at[0, :, pl.ds(0, _CHUNK)], wsem[b]).wait()

        start_gather(0, 0)
        start_gather(1, 1)

        @pl.loop(0, nc // 2)
        def pair_loop(p):
            for b in range(2):
                ci = p * 2 + b
                wait_gather(b)

                @pl.when(p > 0)
                def _():
                    wait_writeback(b)

                jlo = lax.iota(jnp.int32, _LANES)
                jhi = jlo + _LANES

                def transpose4(r4, carry, rows=rows_v[b], t=t_v[b]):
                    for k in range(8):
                        r = r4 * 8 + k
                        rvec = jnp.full((_LANES,), r, jnp.int32)
                        plsc.store_scatter(
                            t, [jlo, rvec], rows[r, pl.ds(0, _LANES)] * scale)
                        plsc.store_scatter(
                            t, [jhi, rvec],
                            rows[r, pl.ds(_LANES, _LANES)] * scale)
                    return carry

                lax.fori_loop(0, _CHUNK // 8, transpose4, 0)
                gpos = base + ci * _CHUNK
                l_i = lax.shift_right_logical(gpos, b_shift)
                b0 = pl.multiple_of(gpos & (b_dim - 1), _CHUNK)
                pltpu.async_copy(
                    t_v[b].at[:, pl.ds(0, _CHUNK)],
                    out_hbm.at[l_i, :, pl.ds(b0, _CHUNK)], wsem[b])

                @pl.when(ci + 2 < nc)
                def _():
                    start_gather(ci + 2, b)

        for b in range(2):
            wait_writeback(b)

    return body(flat_idx, table)


def kernel(tokens, table):
    b_dim, l_dim = tokens.shape
    v, d = table.shape
    flat_idx = tokens.T.reshape(b_dim * l_dim).astype(jnp.int32)
    out_nat = _emb_lookup(
        flat_idx,
        table,
        b_dim=b_dim,
        l_dim=l_dim,
        d=d,
        scale=math.sqrt(d),
    )
    return jnp.transpose(out_nat, (2, 0, 1))

# --- scband reference (transcript-rebuilt; emitter-appended) ---
"""Pipeline reference for scband-token-embedding-876173328436 (READ-ONLY COPY).

The authoritative reference and input builder live on the scoring server;
editing this copy changes nothing except your own understanding.
"""

import math
import jax, jax.numpy as jnp
import numpy as np

VOCAB = 1000000
EMB = 32
B = 4096
L = 200

def setup_inputs(seed: int = 0) -> dict:
    key = jax.random.key(seed)
    k1, k2 = jax.random.split(key)
    tokens = jax.random.randint(k1, (B, L), 0, VOCAB, dtype=jnp.int64 if jax.config.jax_enable_x64 else jnp.int32)
    # nn.Embedding default init: N(0, 1)
    table = jax.random.normal(k2, (VOCAB, EMB), dtype=jnp.float32)
    return {"tokens": tokens, "table": table}

def reference(tokens, table):
    emb = jnp.take(table, tokens.astype(jnp.int32), axis=0)
    return emb * math.sqrt(EMB)

if __name__ == "__main__":
    import jax
    _d = setup_inputs()
    print(jax.jit(kernel)(*tuple(_d.values())))

</pallas_src>

<mosaic_0001>
#map = affine_map<(d0, d1) -> (0)>
#map1 = affine_map<(d0, d1) -> (0, 0)>
#map2 = affine_map<(d0, d1) -> (0, 0, 0)>
module attributes {stable_mosaic.version = 14 : i64} {
  func.func @body(%arg0: i32, %arg1: i32, %arg2: memref<819200xi32, #tpu.memory_space<hbm>>, %arg3: memref<1000000x32xf32, #tpu.memory_space<hbm>>, %arg4: memref<200x32x4096xf32, #tpu.memory_space<hbm>>, %arg5: memref<25600xi32, #tpu.memory_space<vmem>>, %arg6: memref<512x32xf32, #tpu.memory_space<vmem>>, %arg7: memref<512x32xf32, #tpu.memory_space<vmem>>, %arg8: memref<32x513xf32, #tpu.memory_space<vmem>>, %arg9: memref<32x513xf32, #tpu.memory_space<vmem>>, %arg10: memref<!tpu.dma_semaphore, #tpu.memory_space<semaphore_mem>>, %arg11: memref<!tpu.dma_semaphore, #tpu.memory_space<semaphore_mem>>, %arg12: memref<!tpu.dma_semaphore, #tpu.memory_space<semaphore_mem>>, %arg13: memref<!tpu.dma_semaphore, #tpu.memory_space<semaphore_mem>>) attributes {dimension_semantics = [#tpu.dimension_semantics<core_parallel>, #tpu.dimension_semantics<subcore_parallel>], iteration_bounds = array<i64: 2, 16>, scalar_prefetch = 0 : i64, scratch_operands = 9 : i64, tpu.core_type = #tpu.core_type<sc_vector_subcore>, window_params = [{transform_indices = #map}, {transform_indices = #map1}, {transform_indices = #map2}]} {
    %mul3A = arith.constant 2 : i32
    %mul3A_0 = arith.muli %arg1, %mul3A : i32
    %add3A = arith.addi %mul3A_0, %arg0 : i32
    %mul3A_1 = arith.constant 25600 : i32
    %mul3A_2 = arith.muli %add3A, %mul3A_1 : i32
    "tpu.region"() ({
      %run_scoped3A = tpu.sem_alloc : memref<!tpu.dma_semaphore, #tpu.memory_space<semaphore_mem>>
      %dma_start3A_46 = tpu.memref_slice %arg2[%mul3A_2] : memref<819200xi32, #tpu.memory_space<hbm>> -> memref<25600xi32, #tpu.memory_space<hbm>>
      %dma_start3A_47 = tpu.memref_slice %arg2[%mul3A_2] : memref<819200xi32, #tpu.memory_space<hbm>> -> memref<25600xi32, #tpu.memory_space<hbm>>
      tpu.enqueue_dma source(%dma_start3A_47 : memref<25600xi32, #tpu.memory_space<hbm>>) target(%arg5 : memref<25600xi32, #tpu.memory_space<vmem>>) target_semaphore(%run_scoped3A : memref<!tpu.dma_semaphore, #tpu.memory_space<semaphore_mem>>)
      %dma_wait3A_48 = tpu.memref_slice %arg2[%mul3A_2] : memref<819200xi32, #tpu.memory_space<hbm>> -> memref<25600xi32, #tpu.memory_space<hbm>>
      %dma_wait3A_49 = tpu.memref_slice %arg2[%mul3A_2] : memref<819200xi32, #tpu.memory_space<hbm>> -> memref<25600xi32, #tpu.memory_space<hbm>>
      tpu.wait_dma2 semaphore(%run_scoped3A : memref<!tpu.dma_semaphore, #tpu.memory_space<semaphore_mem>>) src(%dma_wait3A_49 : memref<25600xi32, #tpu.memory_space<hbm>>) dst(%arg5 : memref<25600xi32, #tpu.memory_space<vmem>>)
      tpu.yield
    }) : () -> ()
    %multiple_of3A = arith.constant 0 : i32
    %multiple_of3A_3 = tpu.assume_multiple %multiple_of3A, 8 : i32
    %dma_start3A = tpu.memref_slice %arg5[%multiple_of3A_3] : memref<25600xi32, #tpu.memory_space<vmem>> -> memref<512xi32, #tpu.memory_space<vmem>>
    %dma_start3A_4 = arith.constant 0 : i32
    %dma_start3A_5 = arith.constant 0 : i32
    %dma_start3A_6 = tpu.memref_slice %arg3[%dma_start3A_4, %dma_start3A_5] : memref<1000000x32xf32, #tpu.memory_space<hbm>> -> memref<1000000x32xf32, #tpu.memory_space<hbm>>
    tpu.enqueue_indirect_dma source(%dma_start3A_6 : memref<1000000x32xf32, #tpu.memory_space<hbm>>) target(%arg6 : memref<512x32xf32, #tpu.memory_space<vmem>>) offsets(%dma_start3A : memref<512xi32, #tpu.memory_space<vmem>>) semaphore(%arg10 : memref<!tpu.dma_semaphore, #tpu.memory_space<semaphore_mem>>)
    %multiple_of3A_7 = arith.constant 512 : i32
    %multiple_of3A_8 = tpu.assume_multiple %multiple_of3A_7, 8 : i32
    %dma_start3A_9 = tpu.memref_slice %arg5[%multiple_of3A_8] : memref<25600xi32, #tpu.memory_space<vmem>> -> memref<512xi32, #tpu.memory_space<vmem>>
    %dma_start3A_10 = arith.constant 0 : i32
    %dma_start3A_11 = arith.constant 0 : i32
    %dma_start3A_12 = tpu.memref_slice %arg3[%dma_start3A_10, %dma_start3A_11] : memref<1000000x32xf32, #tpu.memory_space<hbm>> -> memref<1000000x32xf32, #tpu.memory_space<hbm>>
    tpu.enqueue_indirect_dma source(%dma_start3A_12 : memref<1000000x32xf32, #tpu.memory_space<hbm>>) target(%arg7 : memref<512x32xf32, #tpu.memory_space<vmem>>) offsets(%dma_start3A_9 : memref<512xi32, #tpu.memory_space<vmem>>) semaphore(%arg11 : memref<!tpu.dma_semaphore, #tpu.memory_space<semaphore_mem>>)
    %scan3A = arith.constant 0 : i32
    %scan3A_13 = arith.constant 25 : i32
    %scan3A_14 = arith.addi %scan3A, %scan3A_13 : i32
    %scan3A_15 = arith.constant 1 : i32
    scf.for %scan3A_46 = %scan3A to %scan3A_14 step %scan3A_15  : i32 {
      %mul3A_47 = arith.constant 1 : i32
      %mul3A_48 = arith.muli %scan3A_46, %mul3A_47 : i32
      %add3A_49 = arith.constant 0 : i32
      %add3A_50 = arith.addi %add3A_49, %mul3A_48 : i32
      %mul3A_51 = arith.constant 2 : i32
      %mul3A_52 = arith.muli %add3A_50, %mul3A_51 : i32
      %add3A_53 = arith.constant 0 : i32
      %add3A_54 = arith.addi %mul3A_52, %add3A_53 : i32
      %dma_wait3A_55 = arith.constant 0 : i32
      %dma_wait3A_56 = tpu.memref_slice %arg5[%dma_wait3A_55] : memref<25600xi32, #tpu.memory_space<vmem>> -> memref<512xi32, #tpu.memory_space<vmem>>
      %dma_wait3A_57 = arith.constant 0 : i32
      %dma_wait3A_58 = arith.constant 0 : i32
      %dma_wait3A_59 = tpu.memref_slice %arg3[%dma_wait3A_57, %dma_wait3A_58] : memref<1000000x32xf32, #tpu.memory_space<hbm>> -> memref<1000000x32xf32, #tpu.memory_space<hbm>>
      tpu.wait_indirect_dma semaphore(%arg10 : memref<!tpu.dma_semaphore, #tpu.memory_space<semaphore_mem>>) src(%dma_wait3A_59 : memref<1000000x32xf32, #tpu.memory_space<hbm>>) dst(%arg6 : memref<512x32xf32, #tpu.memory_space<vmem>>)
      %gt3A = arith.constant 0 : i32
      %gt3A_60 = arith.cmpi sgt, %add3A_50, %gt3A : i32
      %convert_element_type3A = arith.extui %gt3A_60 : i1 to i32
      %cond3A = arith.constant 0 : i32
      %cond3A_61 = arith.cmpi ne, %convert_element_type3A, %cond3A : i32
      scf.if %cond3A_61 {
        %dma_wait3A_146 = arith.constant 0 : i32
        %dma_wait3A_147 = arith.constant 0 : i32
        %dma_wait3A_148 = arith.constant 0 : i32
        %dma_wait3A_149 = tpu.memref_slice %arg8[%dma_wait3A_147, %dma_wait3A_148] : memref<32x513xf32, #tpu.memory_space<vmem>> -> memref<32x512xf32, #tpu.memory_space<vmem>>
        %dma_wait3A_150 = arith.constant 0 : i32
        %dma_wait3A_151 = arith.constant 0 : i32
        %dma_wait3A_152 = tpu.memref_slice %arg4[%dma_wait3A_146, %dma_wait3A_150, %dma_wait3A_151] : memref<200x32x4096xf32, #tpu.memory_space<hbm>> -> memref<1x32x512xf32, #tpu.memory_space<hbm>>
        %dma_wait3A_153 = tpu.memref_squeeze %dma_wait3A_152 : memref<1x32x512xf32, #tpu.memory_space<hbm>> -> memref<32x512xf32, #tpu.memory_space<hbm>>
        %dma_wait3A_154 = arith.constant 0 : i32
        %dma_wait3A_155 = arith.constant 0 : i32
        %dma_wait3A_156 = tpu.memref_slice %arg4[%dma_wait3A_146, %dma_wait3A_154, %dma_wait3A_155] : memref<200x32x4096xf32, #tpu.memory_space<hbm>> -> memref<1x32x512xf32, #tpu.memory_space<hbm>>
        %dma_wait3A_157 = tpu.memref_squeeze %dma_wait3A_156 : memref<1x32x512xf32, #tpu.memory_space<hbm>> -> memref<32x512xf32, #tpu.memory_space<hbm>>
        %dma_wait3A_158 = arith.constant 0 : i32
        %dma_wait3A_159 = arith.constant 0 : i32
        %dma_wait3A_160 = tpu.memref_slice %arg8[%dma_wait3A_158, %dma_wait3A_159] : memref<32x513xf32, #tpu.memory_space<vmem>> -> memref<32x512xf32, #tpu.memory_space<vmem>>
        tpu.wait_dma2 semaphore(%arg12 : memref<!tpu.dma_semaphore, #tpu.memory_space<semaphore_mem>>) src(%dma_wait3A_160 : memref<32x512xf32, #tpu.memory_space<vmem>>) dst(%dma_wait3A_157 : memref<32x512xf32, #tpu.memory_space<hbm>>)
      } else {
      }
      %iota3A = tpu.iota {dimensions = array<i32: 0>} : vector<16xi32>
      %add3A_62 = arith.constant 16 : i32
      %add3A_63 = vector.broadcast %add3A_62 : i32 to vector<16xi32>
      %add3A_64 = arith.addi %iota3A, %add3A_63 : vector<16xi32>
      %scan3A_65 = arith.constant 0 : i32
      %scan3A_66 = arith.constant 0 : i32
      %scan3A_67 = arith.constant 64 : i32
      %scan3A_68 = arith.addi %scan3A_66, %scan3A_67 : i32
      %scan3A_69 = arith.constant 1 : i32
      scf.for %scan3A_146 = %scan3A_66 to %scan3A_68 step %scan3A_69  : i32 {
        %mul3A_147 = arith.constant 8 : i32
        %mul3A_148 = arith.muli %scan3A_146, %mul3A_147 : i32
        %add3A_149 = arith.constant 0 : i32
        %add3A_150 = arith.addi %mul3A_148, %add3A_149 : i32
        %broadcast_in_dim3A = vector.broadcast %add3A_150 : i32 to vector<16xi32>
        %get3A = arith.index_cast %add3A_150 : i32 to index
        %get3A_151 = arith.constant 0 : index
        %get3A_152 = tpu.vector_load %arg6[%get3A, %get3A_151] {strides = array<i32>} : memref<512x32xf32, #tpu.memory_space<vmem>>, vector<16xf32>,
        %mul3A_153 = arith.constant 5.65685415 : f32
        %mul3A_154 = vector.broadcast %mul3A_153 : f32 to vector<16xf32>
        %mul3A_155 = arith.mulf %get3A_152, %mul3A_154 : vector<16xf32>
        tpu.vector_store_idx %arg8[%iota3A, %broadcast_in_dim3A], %mul3A_155 : memref<32x513xf32, #tpu.memory_space<vmem>>[vector<16xi32>, vector<16xi32>], vector<16xf32>,
        %get3A_156 = arith.index_cast %add3A_150 : i32 to index
        %get3A_157 = arith.constant 16 : index
        %get3A_158 = tpu.vector_load %arg6[%get3A_156, %get3A_157] {strides = array<i32>} : memref<512x32xf32, #tpu.memory_space<vmem>>, vector<16xf32>,
        %mul3A_159 = arith.constant 5.65685415 : f32
        %mul3A_160 = vector.broadcast %mul3A_159 : f32 to vector<16xf32>
        %mul3A_161 = arith.mulf %get3A_158, %mul3A_160 : vector<16xf32>
        tpu.vector_store_idx %arg8[%add3A_64, %broadcast_in_dim3A], %mul3A_161 : memref<32x513xf32, #tpu.memory_space<vmem>>[vector<16xi32>, vector<16xi32>], vector<16xf32>,
        %mul3A_162 = arith.constant 8 : i32
        %mul3A_163 = arith.muli %scan3A_146, %mul3A_162 : i32
        %add3A_164 = arith.constant 1 : i32
        %add3A_165 = arith.addi %mul3A_163, %add3A_164 : i32
        %broadcast_in_dim3A_166 = vector.broadcast %add3A_165 : i32 to vector<16xi32>
        %get3A_167 = arith.index_cast %add3A_165 : i32 to index
        %get3A_168 = arith.constant 0 : index
        %get3A_169 = tpu.vector_load %arg6[%get3A_167, %get3A_168] {strides = array<i32>} : memref<512x32xf32, #tpu.memory_space<vmem>>, vector<16xf32>,
        %mul3A_170 = arith.constant 5.65685415 : f32
        %mul3A_171 = vector.broadcast %mul3A_170 : f32 to vector<16xf32>
        %mul3A_172 = arith.mulf %get3A_169, %mul3A_171 : vector<16xf32>
        tpu.vector_store_idx %arg8[%iota3A, %broadcast_in_dim3A_166], %mul3A_172 : memref<32x513xf32, #tpu.memory_space<vmem>>[vector<16xi32>, vector<16xi32>], vector<16xf32>,
        %get3A_173 = arith.index_cast %add3A_165 : i32 to index
        %get3A_174 = arith.constant 16 : index
        %get3A_175 = tpu.vector_load %arg6[%get3A_173, %get3A_174] {strides = array<i32>} : memref<512x32xf32, #tpu.memory_space<vmem>>, vector<16xf32>,
        %mul3A_176 = arith.constant 5.65685415 : f32
        %mul3A_177 = vector.broadcast %mul3A_176 : f32 to vector<16xf32>
        %mul3A_178 = arith.mulf %get3A_175, %mul3A_177 : vector<16xf32>
        tpu.vector_store_idx %arg8[%add3A_64, %broadcast_in_dim3A_166], %mul3A_178 : memref<32x513xf32, #tpu.memory_space<vmem>>[vector<16xi32>, vector<16xi32>], vector<16xf32>,
        %mul3A_179 = arith.constant 8 : i32
        %mul3A_180 = arith.muli %scan3A_146, %mul3A_179 : i32
        %add3A_181 = arith.constant 2 : i32
        %add3A_182 = arith.addi %mul3A_180, %add3A_181 : i32
        %broadcast_in_dim3A_183 = vector.broadcast %add3A_182 : i32 to vector<16xi32>
        %get3A_184 = arith.index_cast %add3A_182 : i32 to index
        %get3A_185 = arith.constant 0 : index
        %get3A_186 = tpu.vector_load %arg6[%get3A_184, %get3A_185] {strides = array<i32>} : memref<512x32xf32, #tpu.memory_space<vmem>>, vector<16xf32>,
        %mul3A_187 = arith.constant 5.65685415 : f32
        %mul3A_188 = vector.broadcast %mul3A_187 : f32 to vector<16xf32>
        %mul3A_189 = arith.mulf %get3A_186, %mul3A_188 : vector<16xf32>
        tpu.vector_store_idx %arg8[%iota3A, %broadcast_in_dim3A_183], %mul3A_189 : memref<32x513xf32, #tpu.memory_space<vmem>>[vector<16xi32>, vector<16xi32>], vector<16xf32>,
        %get3A_190 = arith.index_cast %add3A_182 : i32 to index
        %get3A_191 = arith.constant 16 : index
        %get3A_192 = tpu.vector_load %arg6[%get3A_190, %get3A_191] {strides = array<i32>} : memref<512x32xf32, #tpu.memory_space<vmem>>, vector<16xf32>,
        %mul3A_193 = arith.constant 5.65685415 : f32
        %mul3A_194 = vector.broadcast %mul3A_193 : f32 to vector<16xf32>
        %mul3A_195 = arith.mulf %get3A_192, %mul3A_194 : vector<16xf32>
        tpu.vector_store_idx %arg8[%add3A_64, %broadcast_in_dim3A_183], %mul3A_195 : memref<32x513xf32, #tpu.memory_space<vmem>>[vector<16xi32>, vector<16xi32>], vector<16xf32>,
        %mul3A_196 = arith.constant 8 : i32
        %mul3A_197 = arith.muli %scan3A_146, %mul3A_196 : i32
        %add3A_198 = arith.constant 3 : i32
        %add3A_199 = arith.addi %mul3A_197, %add3A_198 : i32
        %broadcast_in_dim3A_200 = vector.broadcast %add3A_199 : i32 to vector<16xi32>
        %get3A_201 = arith.index_cast %add3A_199 : i32 to index
        %get3A_202 = arith.constant 0 : index
        %get3A_203 = tpu.vector_load %arg6[%get3A_201, %get3A_202] {strides = array<i32>} : memref<512x32xf32, #tpu.memory_space<vmem>>, vector<16xf32>,
        %mul3A_204 = arith.constant 5.65685415 : f32
        %mul3A_205 = vector.broadcast %mul3A_204 : f32 to vector<16xf32>
        %mul3A_206 = arith.mulf %get3A_203, %mul3A_205 : vector<16xf32>
        tpu.vector_store_idx %arg8[%iota3A, %broadcast_in_dim3A_200], %mul3A_206 : memref<32x513xf32, #tpu.memory_space<vmem>>[vector<16xi32>, vector<16xi32>], vector<16xf32>,
        %get3A_207 = arith.index_cast %add3A_199 : i32 to index
        %get3A_208 = arith.constant 16 : index
        %get3A_209 = tpu.vector_load %arg6[%get3A_207, %get3A_208] {strides = array<i32>} : memref<512x32xf32, #tpu.memory_space<vmem>>, vector<16xf32>,
        %mul3A_210 = arith.constant 5.65685415 : f32
        %mul3A_211 = vector.broadcast %mul3A_210 : f32 to vector<16xf32>
        %mul3A_212 = arith.mulf %get3A_209, %mul3A_211 : vector<16xf32>
        tpu.vector_store_idx %arg8[%add3A_64, %broadcast_in_dim3A_200], %mul3A_212 : memref<32x513xf32, #tpu.memory_space<vmem>>[vector<16xi32>, vector<16xi32>], vector<16xf32>,
        %mul3A_213 = arith.constant 8 : i32
        %mul3A_214 = arith.muli %scan3A_146, %mul3A_213 : i32
        %add3A_215 = arith.constant 4 : i32
        %add3A_216 = arith.addi %mul3A_214, %add3A_215 : i32
        %broadcast_in_dim3A_217 = vector.broadcast %add3A_216 : i32 to vector<16xi32>
        %get3A_218 = arith.index_cast %add3A_216 : i32 to index
        %get3A_219 = arith.constant 0 : index
        %get3A_220 = tpu.vector_load %arg6[%get3A_218, %get3A_219] {strides = array<i32>} : memref<512x32xf32, #tpu.memory_space<vmem>>, vector<16xf32>,
        %mul3A_221 = arith.constant 5.65685415 : f32
        %mul3A_222 = vector.broadcast %mul3A_221 : f32 to vector<16xf32>
        %mul3A_223 = arith.mulf %get3A_220, %mul3A_222 : vector<16xf32>
        tpu.vector_store_idx %arg8[%iota3A, %broadcast_in_dim3A_217], %mul3A_223 : memref<32x513xf32, #tpu.memory_space<vmem>>[vector<16xi32>, vector<16xi32>], vector<16xf32>,
        %get3A_224 = arith.index_cast %add3A_216 : i32 to index
        %get3A_225 = arith.constant 16 : index
        %get3A_226 = tpu.vector_load %arg6[%get3A_224, %get3A_225] {strides = array<i32>} : memref<512x32xf32, #tpu.memory_space<vmem>>, vector<16xf32>,
        %mul3A_227 = arith.constant 5.65685415 : f32
        %mul3A_228 = vector.broadcast %mul3A_227 : f32 to vector<16xf32>
        %mul3A_229 = arith.mulf %get3A_226, %mul3A_228 : vector<16xf32>
        tpu.vector_store_idx %arg8[%add3A_64, %broadcast_in_dim3A_217], %mul3A_229 : memref<32x513xf32, #tpu.memory_space<vmem>>[vector<16xi32>, vector<16xi32>], vector<16xf32>,
        %mul3A_230 = arith.constant 8 : i32
        %mul3A_231 = arith.muli %scan3A_146, %mul3A_230 : i32
        %add3A_232 = arith.constant 5 : i32
        %add3A_233 = arith.addi %mul3A_231, %add3A_232 : i32
        %broadcast_in_dim3A_234 = vector.broadcast %add3A_233 : i32 to vector<16xi32>
        %get3A_235 = arith.index_cast %add3A_233 : i32 to index
        %get3A_236 = arith.constant 0 : index
        %get3A_237 = tpu.vector_load %arg6[%get3A_235, %get3A_236] {strides = array<i32>} : memref<512x32xf32, #tpu.memory_space<vmem>>, vector<16xf32>,
        %mul3A_238 = arith.constant 5.65685415 : f32
        %mul3A_239 = vector.broadcast %mul3A_238 : f32 to vector<16xf32>
        %mul3A_240 = arith.mulf %get3A_237, %mul3A_239 : vector<16xf32>
        tpu.vector_store_idx %arg8[%iota3A, %broadcast_in_dim3A_234], %mul3A_240 : memref<32x513xf32, #tpu.memory_space<vmem>>[vector<16xi32>, vector<16xi32>], vector<16xf32>,
        %get3A_241 = arith.index_cast %add3A_233 : i32 to index
        %get3A_242 = arith.constant 16 : index
        %get3A_243 = tpu.vector_load %arg6[%get3A_241, %get3A_242] {strides = array<i32>} : memref<512x32xf32, #tpu.memory_space<vmem>>, vector<16xf32>,
        %mul3A_244 = arith.constant 5.65685415 : f32
        %mul3A_245 = vector.broadcast %mul3A_244 : f32 to vector<16xf32>
        %mul3A_246 = arith.mulf %get3A_243, %mul3A_245 : vector<16xf32>
        tpu.vector_store_idx %arg8[%add3A_64, %broadcast_in_dim3A_234], %mul3A_246 : memref<32x513xf32, #tpu.memory_space<vmem>>[vector<16xi32>, vector<16xi32>], vector<16xf32>,
        %mul3A_247 = arith.constant 8 : i32
        %mul3A_248 = arith.muli %scan3A_146, %mul3A_247 : i32
        %add3A_249 = arith.constant 6 : i32
        %add3A_250 = arith.addi %mul3A_248, %add3A_249 : i32
        %broadcast_in_dim3A_251 = vector.broadcast %add3A_250 : i32 to vector<16xi32>
        %get3A_252 = arith.index_cast %add3A_250 : i32 to index
        %get3A_253 = arith.constant 0 : index
        %get3A_254 = tpu.vector_load %arg6[%get3A_252, %get3A_253] {strides = array<i32>} : memref<512x32xf32, #tpu.memory_space<vmem>>, vector<16xf32>,
        %mul3A_255 = arith.constant 5.65685415 : f32
        %mul3A_256 = vector.broadcast %mul3A_255 : f32 to vector<16xf32>
        %mul3A_257 = arith.mulf %get3A_254, %mul3A_256 : vector<16xf32>
        tpu.vector_store_idx %arg8[%iota3A, %broadcast_in_dim3A_251], %mul3A_257 : memref<32x513xf32, #tpu.memory_space<vmem>>[vector<16xi32>, vector<16xi32>], vector<16xf32>,
        %get3A_258 = arith.index_cast %add3A_250 : i32 to index
        %get3A_259 = arith.constant 16 : index
        %get3A_260 = tpu.vector_load %arg6[%get3A_258, %get3A_259] {strides = array<i32>} : memref<512x32xf32, #tpu.memory_space<vmem>>, vector<16xf32>,
        %mul3A_261 = arith.constant 5.65685415 : f32
        %mul3A_262 = vector.broadcast %mul3A_261 : f32 to vector<16xf32>
        %mul3A_263 = arith.mulf %get3A_260, %mul3A_262 : vector<16xf32>
        tpu.vector_store_idx %arg8[%add3A_64, %broadcast_in_dim3A_251], %mul3A_263 : memref<32x513xf32, #tpu.memory_space<vmem>>[vector<16xi32>, vector<16xi32>], vector<16xf32>,
        %mul3A_264 = arith.constant 8 : i32
        %mul3A_265 = arith.muli %scan3A_146, %mul3A_264 : i32
        %add3A_266 = arith.constant 7 : i32
        %add3A_267 = arith.addi %mul3A_265, %add3A_266 : i32
        %broadcast_in_dim3A_268 = vector.broadcast %add3A_267 : i32 to vector<16xi32>
        %get3A_269 = arith.index_cast %add3A_267 : i32 to index
        %get3A_270 = arith.constant 0 : index
        %get3A_271 = tpu.vector_load %arg6[%get3A_269, %get3A_270] {strides = array<i32>} : memref<512x32xf32, #tpu.memory_space<vmem>>, vector<16xf32>,
        %mul3A_272 = arith.constant 5.65685415 : f32
        %mul3A_273 = vector.broadcast %mul3A_272 : f32 to vector<16xf32>
        %mul3A_274 = arith.mulf %get3A_271, %mul3A_273 : vector<16xf32>
        tpu.vector_store_idx %arg8[%iota3A, %broadcast_in_dim3A_268], %mul3A_274 : memref<32x513xf32, #tpu.memory_space<vmem>>[vector<16xi32>, vector<16xi32>], vector<16xf32>,
        %get3A_275 = arith.index_cast %add3A_267 : i32 to index
        %get3A_276 = arith.constant 16 : index
        %get3A_277 = tpu.vector_load %arg6[%get3A_275, %get3A_276] {strides = array<i32>} : memref<512x32xf32, #tpu.memory_space<vmem>>, vector<16xf32>,
        %mul3A_278 = arith.constant 5.65685415 : f32
        %mul3A_279 = vector.broadcast %mul3A_278 : f32 to vector<16xf32>
        %mul3A_280 = arith.mulf %get3A_277, %mul3A_279 : vector<16xf32>
        tpu.vector_store_idx %arg8[%add3A_64, %broadcast_in_dim3A_268], %mul3A_280 : memref<32x513xf32, #tpu.memory_space<vmem>>[vector<16xi32>, vector<16xi32>], vector<16xf32>,
      }
      %scan3A_70 = arith.constant 64 : i32
      %mul3A_71 = arith.constant 512 : i32
      %mul3A_72 = arith.muli %add3A_54, %mul3A_71 : i32
      %add3A_73 = arith.addi %mul3A_2, %mul3A_72 : i32
      %shift_right_logical3A = arith.constant 12 : i32
      %shift_right_logical3A_74 = arith.shrui %add3A_73, %shift_right_logical3A : i32
      %and3A = arith.constant 4095 : i32
      %and3A_75 = arith.andi %add3A_73, %and3A : i32
      %multiple_of3A_76 = tpu.assume_multiple %and3A_75, 512 : i32
      %dma_start3A_77 = arith.constant 0 : i32
      %dma_start3A_78 = arith.constant 0 : i32
      %dma_start3A_79 = tpu.memref_slice %arg8[%dma_start3A_77, %dma_start3A_78] : memref<32x513xf32, #tpu.memory_space<vmem>> -> memref<32x512xf32, #tpu.memory_space<vmem>>
      %dma_start3A_80 = arith.constant 0 : i32
      %dma_start3A_81 = tpu.memref_slice %arg4[%shift_right_logical3A_74, %dma_start3A_80, %multiple_of3A_76] : memref<200x32x4096xf32, #tpu.memory_space<hbm>> -> memref<1x32x512xf32, #tpu.memory_space<hbm>>
      %dma_start3A_82 = tpu.memref_squeeze %dma_start3A_81 : memref<1x32x512xf32, #tpu.memory_space<hbm>> -> memref<32x512xf32, #tpu.memory_space<hbm>>
      %dma_start3A_83 = arith.constant 0 : i32
      %dma_start3A_84 = tpu.memref_slice %arg4[%shift_right_logical3A_74, %dma_start3A_83, %multiple_of3A_76] : memref<200x32x4096xf32, #tpu.memory_space<hbm>> -> memref<1x32x512xf32, #tpu.memory_space<hbm>>
      %dma_start3A_85 = tpu.memref_squeeze %dma_start3A_84 : memref<1x32x512xf32, #tpu.memory_space<hbm>> -> memref<32x512xf32, #tpu.memory_space<hbm>>
      %dma_start3A_86 = arith.constant 0 : i32
      %dma_start3A_87 = arith.constant 0 : i32
      %dma_start3A_88 = tpu.memref_slice %arg8[%dma_start3A_86, %dma_start3A_87] : memref<32x513xf32, #tpu.memory_space<vmem>> -> memref<32x512xf32, #tpu.memory_space<vmem>>
      tpu.enqueue_dma source(%dma_start3A_88 : memref<32x512xf32, #tpu.memory_space<vmem>>) target(%dma_start3A_85 : memref<32x512xf32, #tpu.memory_space<hbm>>) target_semaphore(%arg12 : memref<!tpu.dma_semaphore, #tpu.memory_space<semaphore_mem>>)
      %add3A_89 = arith.constant 2 : i32
      %add3A_90 = arith.addi %add3A_54, %add3A_89 : i32
      %lt3A = arith.constant 50 : i32
      %lt3A_91 = arith.cmpi slt, %add3A_90, %lt3A : i32
      %convert_element_type3A_92 = arith.extui %lt3A_91 : i1 to i32
      %cond3A_93 = arith.constant 0 : i32
      %cond3A_94 = arith.cmpi ne, %convert_element_type3A_92, %cond3A_93 : i32
      scf.if %cond3A_94 {
        %add3A_146 = arith.constant 2 : i32
        %add3A_147 = arith.addi %add3A_54, %add3A_146 : i32
        %mul3A_148 = arith.constant 512 : i32
        %mul3A_149 = arith.muli %add3A_147, %mul3A_148 : i32
        %multiple_of3A_150 = tpu.assume_multiple %mul3A_149, 8 : i32
        %dma_start3A_151 = tpu.memref_slice %arg5[%multiple_of3A_150] : memref<25600xi32, #tpu.memory_space<vmem>> -> memref<512xi32, #tpu.memory_space<vmem>>
        %dma_start3A_152 = arith.constant 0 : i32
        %dma_start3A_153 = arith.constant 0 : i32
        %dma_start3A_154 = tpu.memref_slice %arg3[%dma_start3A_152, %dma_start3A_153] : memref<1000000x32xf32, #tpu.memory_space<hbm>> -> memref<1000000x32xf32, #tpu.memory_space<hbm>>
        tpu.enqueue_indirect_dma source(%dma_start3A_154 : memref<1000000x32xf32, #tpu.memory_space<hbm>>) target(%arg6 : memref<512x32xf32, #tpu.memory_space<vmem>>) offsets(%dma_start3A_151 : memref<512xi32, #tpu.memory_space<vmem>>) semaphore(%arg10 : memref<!tpu.dma_semaphore, #tpu.memory_space<semaphore_mem>>)
      } else {
      }
      %mul3A_95 = arith.constant 2 : i32
      %mul3A_96 = arith.muli %add3A_50, %mul3A_95 : i32
      %add3A_97 = arith.constant 1 : i32
      %add3A_98 = arith.addi %mul3A_96, %add3A_97 : i32
      %dma_wait3A_99 = arith.constant 0 : i32
      %dma_wait3A_100 = tpu.memref_slice %arg5[%dma_wait3A_99] : memref<25600xi32, #tpu.memory_space<vmem>> -> memref<512xi32, #tpu.memory_space<vmem>>
      %dma_wait3A_101 = arith.constant 0 : i32
      %dma_wait3A_102 = arith.constant 0 : i32
      %dma_wait3A_103 = tpu.memref_slice %arg3[%dma_wait3A_101, %dma_wait3A_102] : memref<1000000x32xf32, #tpu.memory_space<hbm>> -> memref<1000000x32xf32, #tpu.memory_space<hbm>>
      tpu.wait_indirect_dma semaphore(%arg11 : memref<!tpu.dma_semaphore, #tpu.memory_space<semaphore_mem>>) src(%dma_wait3A_103 : memref<1000000x32xf32, #tpu.memory_space<hbm>>) dst(%arg7 : memref<512x32xf32, #tpu.memory_space<vmem>>)
      %gt3A_104 = arith.constant 0 : i32
      %gt3A_105 = arith.cmpi sgt, %add3A_50, %gt3A_104 : i32
      %convert_element_type3A_106 = arith.extui %gt3A_105 : i1 to i32
      %cond3A_107 = arith.constant 0 : i32
      %cond3A_108 = arith.cmpi ne, %convert_element_type3A_106, %cond3A_107 : i32
      scf.if %cond3A_108 {
        %dma_wait3A_146 = arith.constant 0 : i32
        %dma_wait3A_147 = arith.constant 0 : i32
        %dma_wait3A_148 = arith.constant 0 : i32
        %dma_wait3A_149 = tpu.memref_slice %arg9[%dma_wait3A_147, %dma_wait3A_148] : memref<32x513xf32, #tpu.memory_space<vmem>> -> memref<32x512xf32, #tpu.memory_space<vmem>>
        %dma_wait3A_150 = arith.constant 0 : i32
        %dma_wait3A_151 = arith.constant 0 : i32
        %dma_wait3A_152 = tpu.memref_slice %arg4[%dma_wait3A_146, %dma_wait3A_150, %dma_wait3A_151] : memref<200x32x4096xf32, #tpu.memory_space<hbm>> -> memref<1x32x512xf32, #tpu.memory_space<hbm>>
        %dma_wait3A_153 = tpu.memref_squeeze %dma_wait3A_152 : memref<1x32x512xf32, #tpu.memory_space<hbm>> -> memref<32x512xf32, #tpu.memory_space<hbm>>
        %dma_wait3A_154 = arith.constant 0 : i32
        %dma_wait3A_155 = arith.constant 0 : i32
        %dma_wait3A_156 = tpu.memref_slice %arg4[%dma_wait3A_146, %dma_wait3A_154, %dma_wait3A_155] : memref<200x32x4096xf32, #tpu.memory_space<hbm>> -> memref<1x32x512xf32, #tpu.memory_space<hbm>>
        %dma_wait3A_157 = tpu.memref_squeeze %dma_wait3A_156 : memref<1x32x512xf32, #tpu.memory_space<hbm>> -> memref<32x512xf32, #tpu.memory_space<hbm>>
        %dma_wait3A_158 = arith.constant 0 : i32
        %dma_wait3A_159 = arith.constant 0 : i32
        %dma_wait3A_160 = tpu.memref_slice %arg9[%dma_wait3A_158, %dma_wait3A_159] : memref<32x513xf32, #tpu.memory_space<vmem>> -> memref<32x512xf32, #tpu.memory_space<vmem>>
        tpu.wait_dma2 semaphore(%arg13 : memref<!tpu.dma_semaphore, #tpu.memory_space<semaphore_mem>>) src(%dma_wait3A_160 : memref<32x512xf32, #tpu.memory_space<vmem>>) dst(%dma_wait3A_157 : memref<32x512xf32, #tpu.memory_space<hbm>>)
      } else {
      }
      %iota3A_109 = tpu.iota {dimensions = array<i32: 0>} : vector<16xi32>
      %add3A_110 = arith.constant 16 : i32
      %add3A_111 = vector.broadcast %add3A_110 : i32 to vector<16xi32>
      %add3A_112 = arith.addi %iota3A_109, %add3A_111 : vector<16xi32>
      %scan3A_113 = arith.constant 0 : i32
      %scan3A_114 = arith.constant 0 : i32
      %scan3A_115 = arith.constant 64 : i32
      %scan3A_116 = arith.addi %scan3A_114, %scan3A_115 : i32
      %scan3A_117 = arith.constant 1 : i32
      scf.for %scan3A_146 = %scan3A_114 to %scan3A_116 step %scan3A_117  : i32 {
        %mul3A_147 = arith.constant 8 : i32
        %mul3A_148 = arith.muli %scan3A_146, %mul3A_147 : i32
        %add3A_149 = arith.constant 0 : i32
        %add3A_150 = arith.addi %mul3A_148, %add3A_149 : i32
        %broadcast_in_dim3A = vector.broadcast %add3A_150 : i32 to vector<16xi32>
        %get3A = arith.index_cast %add3A_150 : i32 to index
        %get3A_151 = arith.constant 0 : index
        %get3A_152 = tpu.vector_load %arg7[%get3A, %get3A_151] {strides = array<i32>} : memref<512x32xf32, #tpu.memory_space<vmem>>, vector<16xf32>,
        %mul3A_153 = arith.constant 5.65685415 : f32
        %mul3A_154 = vector.broadcast %mul3A_153 : f32 to vector<16xf32>
        %mul3A_155 = arith.mulf %get3A_152, %mul3A_154 : vector<16xf32>
        tpu.vector_store_idx %arg9[%iota3A_109, %broadcast_in_dim3A], %mul3A_155 : memref<32x513xf32, #tpu.memory_space<vmem>>[vector<16xi32>, vector<16xi32>], vector<16xf32>,
        %get3A_156 = arith.index_cast %add3A_150 : i32 to index
        %get3A_157 = arith.constant 16 : index
        %get3A_158 = tpu.vector_load %arg7[%get3A_156, %get3A_157] {strides = array<i32>} : memref<512x32xf32, #tpu.memory_space<vmem>>, vector<16xf32>,
        %mul3A_159 = arith.constant 5.65685415 : f32
        %mul3A_160 = vector.broadcast %mul3A_159 : f32 to vector<16xf32>
        %mul3A_161 = arith.mulf %get3A_158, %mul3A_160 : vector<16xf32>
        tpu.vector_store_idx %arg9[%add3A_112, %broadcast_in_dim3A], %mul3A_161 : memref<32x513xf32, #tpu.memory_space<vmem>>[vector<16xi32>, vector<16xi32>], vector<16xf32>,
        %mul3A_162 = arith.constant 8 : i32
        %mul3A_163 = arith.muli %scan3A_146, %mul3A_162 : i32
        %add3A_164 = arith.constant 1 : i32
        %add3A_165 = arith.addi %mul3A_163, %add3A_164 : i32
        %broadcast_in_dim3A_166 = vector.broadcast %add3A_165 : i32 to vector<16xi32>
        %get3A_167 = arith.index_cast %add3A_165 : i32 to index
        %get3A_168 = arith.constant 0 : index
        %get3A_169 = tpu.vector_load %arg7[%get3A_167, %get3A_168] {strides = array<i32>} : memref<512x32xf32, #tpu.memory_space<vmem>>, vector<16xf32>,
        %mul3A_170 = arith.constant 5.65685415 : f32
        %mul3A_171 = vector.broadcast %mul3A_170 : f32 to vector<16xf32>
        %mul3A_172 = arith.mulf %get3A_169, %mul3A_171 : vector<16xf32>
        tpu.vector_store_idx %arg9[%iota3A_109, %broadcast_in_dim3A_166], %mul3A_172 : memref<32x513xf32, #tpu.memory_space<vmem>>[vector<16xi32>, vector<16xi32>], vector<16xf32>,
        %get3A_173 = arith.index_cast %add3A_165 : i32 to index
        %get3A_174 = arith.constant 16 : index
        %get3A_175 = tpu.vector_load %arg7[%get3A_173, %get3A_174] {strides = array<i32>} : memref<512x32xf32, #tpu.memory_space<vmem>>, vector<16xf32>,
        %mul3A_176 = arith.constant 5.65685415 : f32
        %mul3A_177 = vector.broadcast %mul3A_176 : f32 to vector<16xf32>
        %mul3A_178 = arith.mulf %get3A_175, %mul3A_177 : vector<16xf32>
        tpu.vector_store_idx %arg9[%add3A_112, %broadcast_in_dim3A_166], %mul3A_178 : memref<32x513xf32, #tpu.memory_space<vmem>>[vector<16xi32>, vector<16xi32>], vector<16xf32>,
        %mul3A_179 = arith.constant 8 : i32
        %mul3A_180 = arith.muli %scan3A_146, %mul3A_179 : i32
        %add3A_181 = arith.constant 2 : i32
        %add3A_182 = arith.addi %mul3A_180, %add3A_181 : i32
        %broadcast_in_dim3A_183 = vector.broadcast %add3A_182 : i32 to vector<16xi32>
        %get3A_184 = arith.index_cast %add3A_182 : i32 to index
        %get3A_185 = arith.constant 0 : index
        %get3A_186 = tpu.vector_load %arg7[%get3A_184, %get3A_185] {strides = array<i32>} : memref<512x32xf32, #tpu.memory_space<vmem>>, vector<16xf32>,
        %mul3A_187 = arith.constant 5.65685415 : f32
        %mul3A_188 = vector.broadcast %mul3A_187 : f32 to vector<16xf32>
        %mul3A_189 = arith.mulf %get3A_186, %mul3A_188 : vector<16xf32>
        tpu.vector_store_idx %arg9[%iota3A_109, %broadcast_in_dim3A_183], %mul3A_189 : memref<32x513xf32, #tpu.memory_space<vmem>>[vector<16xi32>, vector<16xi32>], vector<16xf32>,
        %get3A_190 = arith.index_cast %add3A_182 : i32 to index
        %get3A_191 = arith.constant 16 : index
        %get3A_192 = tpu.vector_load %arg7[%get3A_190, %get3A_191] {strides = array<i32>} : memref<512x32xf32, #tpu.memory_space<vmem>>, vector<16xf32>,
        %mul3A_193 = arith.constant 5.65685415 : f32
        %mul3A_194 = vector.broadcast %mul3A_193 : f32 to vector<16xf32>
        %mul3A_195 = arith.mulf %get3A_192, %mul3A_194 : vector<16xf32>
        tpu.vector_store_idx %arg9[%add3A_112, %broadcast_in_dim3A_183], %mul3A_195 : memref<32x513xf32, #tpu.memory_space<vmem>>[vector<16xi32>, vector<16xi32>], vector<16xf32>,
        %mul3A_196 = arith.constant 8 : i32
        %mul3A_197 = arith.muli %scan3A_146, %mul3A_196 : i32
        %add3A_198 = arith.constant 3 : i32
        %add3A_199 = arith.addi %mul3A_197, %add3A_198 : i32
        %broadcast_in_dim3A_200 = vector.broadcast %add3A_199 : i32 to vector<16xi32>
        %get3A_201 = arith.index_cast %add3A_199 : i32 to index
        %get3A_202 = arith.constant 0 : index
        %get3A_203 = tpu.vector_load %arg7[%get3A_201, %get3A_202] {strides = array<i32>} : memref<512x32xf32, #tpu.memory_space<vmem>>, vector<16xf32>,
        %mul3A_204 = arith.constant 5.65685415 : f32
        %mul3A_205 = vector.broadcast %mul3A_204 : f32 to vector<16xf32>
        %mul3A_206 = arith.mulf %get3A_203, %mul3A_205 : vector<16xf32>
        tpu.vector_store_idx %arg9[%iota3A_109, %broadcast_in_dim3A_200], %mul3A_206 : memref<32x513xf32, #tpu.memory_space<vmem>>[vector<16xi32>, vector<16xi32>], vector<16xf32>,
        %get3A_207 = arith.index_cast %add3A_199 : i32 to index
        %get3A_208 = arith.constant 16 : index
        %get3A_209 = tpu.vector_load %arg7[%get3A_207, %get3A_208] {strides = array<i32>} : memref<512x32xf32, #tpu.memory_space<vmem>>, vector<16xf32>,
        %mul3A_210 = arith.constant 5.65685415 : f32
        %mul3A_211 = vector.broadcast %mul3A_210 : f32 to vector<16xf32>
        %mul3A_212 = arith.mulf %get3A_209, %mul3A_211 : vector<16xf32>
        tpu.vector_store_idx %arg9[%add3A_112, %broadcast_in_dim3A_200], %mul3A_212 : memref<32x513xf32, #tpu.memory_space<vmem>>[vector<16xi32>, vector<16xi32>], vector<16xf32>,
        %mul3A_213 = arith.constant 8 : i32
        %mul3A_214 = arith.muli %scan3A_146, %mul3A_213 : i32
        %add3A_215 = arith.constant 4 : i32
        %add3A_216 = arith.addi %mul3A_214, %add3A_215 : i32
        %broadcast_in_dim3A_217 = vector.broadcast %add3A_216 : i32 to vector<16xi32>
        %get3A_218 = arith.index_cast %add3A_216 : i32 to index
        %get3A_219 = arith.constant 0 : index
        %get3A_220 = tpu.vector_load %arg7[%get3A_218, %get3A_219] {strides = array<i32>} : memref<512x32xf32, #tpu.memory_space<vmem>>, vector<16xf32>,
        %mul3A_221 = arith.constant 5.65685415 : f32
        %mul3A_222 = vector.broadcast %mul3A_221 : f32 to vector<16xf32>
        %mul3A_223 = arith.mulf %get3A_220, %mul3A_222 : vector<16xf32>
        tpu.vector_store_idx %arg9[%iota3A_109, %broadcast_in_dim3A_217], %mul3A_223 : memref<32x513xf32, #tpu.memory_space<vmem>>[vector<16xi32>, vector<16xi32>], vector<16xf32>,
        %get3A_224 = arith.index_cast %add3A_216 : i32 to index
        %get3A_225 = arith.constant 16 : index
        %get3A_226 = tpu.vector_load %arg7[%get3A_224, %get3A_225] {strides = array<i32>} : memref<512x32xf32, #tpu.memory_space<vmem>>, vector<16xf32>,
        %mul3A_227 = arith.constant 5.65685415 : f32
        %mul3A_228 = vector.broadcast %mul3A_227 : f32 to vector<16xf32>
        %mul3A_229 = arith.mulf %get3A_226, %mul3A_228 : vector<16xf32>
        tpu.vector_store_idx %arg9[%add3A_112, %broadcast_in_dim3A_217], %mul3A_229 : memref<32x513xf32, #tpu.memory_space<vmem>>[vector<16xi32>, vector<16xi32>], vector<16xf32>,
        %mul3A_230 = arith.constant 8 : i32
        %mul3A_231 = arith.muli %scan3A_146, %mul3A_230 : i32
        %add3A_232 = arith.constant 5 : i32
        %add3A_233 = arith.addi %mul3A_231, %add3A_232 : i32
        %broadcast_in_dim3A_234 = vector.broadcast %add3A_233 : i32 to vector<16xi32>
        %get3A_235 = arith.index_cast %add3A_233 : i32 to index
        %get3A_236 = arith.constant 0 : index
        %get3A_237 = tpu.vector_load %arg7[%get3A_235, %get3A_236] {strides = array<i32>} : memref<512x32xf32, #tpu.memory_space<vmem>>, vector<16xf32>,
        %mul3A_238 = arith.constant 5.65685415 : f32
        %mul3A_239 = vector.broadcast %mul3A_238 : f32 to vector<16xf32>
        %mul3A_240 = arith.mulf %get3A_237, %mul3A_239 : vector<16xf32>
        tpu.vector_store_idx %arg9[%iota3A_109, %broadcast_in_dim3A_234], %mul3A_240 : memref<32x513xf32, #tpu.memory_space<vmem>>[vector<16xi32>, vector<16xi32>], vector<16xf32>,
        %get3A_241 = arith.index_cast %add3A_233 : i32 to index
        %get3A_242 = arith.constant 16 : index
        %get3A_243 = tpu.vector_load %arg7[%get3A_241, %get3A_242] {strides = array<i32>} : memref<512x32xf32, #tpu.memory_space<vmem>>, vector<16xf32>,
        %mul3A_244 = arith.constant 5.65685415 : f32
        %mul3A_245 = vector.broadcast %mul3A_244 : f32 to vector<16xf32>
        %mul3A_246 = arith.mulf %get3A_243, %mul3A_245 : vector<16xf32>
        tpu.vector_store_idx %arg9[%add3A_112, %broadcast_in_dim3A_234], %mul3A_246 : memref<32x513xf32, #tpu.memory_space<vmem>>[vector<16xi32>, vector<16xi32>], vector<16xf32>,
        %mul3A_247 = arith.constant 8 : i32
        %mul3A_248 = arith.muli %scan3A_146, %mul3A_247 : i32
        %add3A_249 = arith.constant 6 : i32
        %add3A_250 = arith.addi %mul3A_248, %add3A_249 : i32
        %broadcast_in_dim3A_251 = vector.broadcast %add3A_250 : i32 to vector<16xi32>
        %get3A_252 = arith.index_cast %add3A_250 : i32 to index
        %get3A_253 = arith.constant 0 : index
        %get3A_254 = tpu.vector_load %arg7[%get3A_252, %get3A_253] {strides = array<i32>} : memref<512x32xf32, #tpu.memory_space<vmem>>, vector<16xf32>,
        %mul3A_255 = arith.constant 5.65685415 : f32
        %mul3A_256 = vector.broadcast %mul3A_255 : f32 to vector<16xf32>
        %mul3A_257 = arith.mulf %get3A_254, %mul3A_256 : vector<16xf32>
        tpu.vector_store_idx %arg9[%iota3A_109, %broadcast_in_dim3A_251], %mul3A_257 : memref<32x513xf32, #tpu.memory_space<vmem>>[vector<16xi32>, vector<16xi32>], vector<16xf32>,
        %get3A_258 = arith.index_cast %add3A_250 : i32 to index
        %get3A_259 = arith.constant 16 : index
        %get3A_260 = tpu.vector_load %arg7[%get3A_258, %get3A_259] {strides = array<i32>} : memref<512x32xf32, #tpu.memory_space<vmem>>, vector<16xf32>,
        %mul3A_261 = arith.constant 5.65685415 : f32
        %mul3A_262 = vector.broadcast %mul3A_261 : f32 to vector<16xf32>
        %mul3A_263 = arith.mulf %get3A_260, %mul3A_262 : vector<16xf32>
        tpu.vector_store_idx %arg9[%add3A_112, %broadcast_in_dim3A_251], %mul3A_263 : memref<32x513xf32, #tpu.memory_space<vmem>>[vector<16xi32>, vector<16xi32>], vector<16xf32>,
        %mul3A_264 = arith.constant 8 : i32
        %mul3A_265 = arith.muli %scan3A_146, %mul3A_264 : i32
        %add3A_266 = arith.constant 7 : i32
        %add3A_267 = arith.addi %mul3A_265, %add3A_266 : i32
        %broadcast_in_dim3A_268 = vector.broadcast %add3A_267 : i32 to vector<16xi32>
        %get3A_269 = arith.index_cast %add3A_267 : i32 to index
        %get3A_270 = arith.constant 0 : index
        %get3A_271 = tpu.vector_load %arg7[%get3A_269, %get3A_270] {strides = array<i32>} : memref<512x32xf32, #tpu.memory_space<vmem>>, vector<16xf32>,
        %mul3A_272 = arith.constant 5.65685415 : f32
        %mul3A_273 = vector.broadcast %mul3A_272 : f32 to vector<16xf32>
        %mul3A_274 = arith.mulf %get3A_271, %mul3A_273 : vector<16xf32>
        tpu.vector_store_idx %arg9[%iota3A_109, %broadcast_in_dim3A_268], %mul3A_274 : memref<32x513xf32, #tpu.memory_space<vmem>>[vector<16xi32>, vector<16xi32>], vector<16xf32>,
        %get3A_275 = arith.index_cast %add3A_267 : i32 to index
        %get3A_276 = arith.constant 16 : index
        %get3A_277 = tpu.vector_load %arg7[%get3A_275, %get3A_276] {strides = array<i32>} : memref<512x32xf32, #tpu.memory_space<vmem>>, vector<16xf32>,
        %mul3A_278 = arith.constant 5.65685415 : f32
        %mul3A_279 = vector.broadcast %mul3A_278 : f32 to vector<16xf32>
        %mul3A_280 = arith.mulf %get3A_277, %mul3A_279 : vector<16xf32>
        tpu.vector_store_idx %arg9[%add3A_112, %broadcast_in_dim3A_268], %mul3A_280 : memref<32x513xf32, #tpu.memory_space<vmem>>[vector<16xi32>, vector<16xi32>], vector<16xf32>,
      }
      %scan3A_118 = arith.constant 64 : i32
      %mul3A_119 = arith.constant 512 : i32
      %mul3A_120 = arith.muli %add3A_98, %mul3A_119 : i32
      %add3A_121 = arith.addi %mul3A_2, %mul3A_120 : i32
      %shift_right_logical3A_122 = arith.constant 12 : i32
      %shift_right_logical3A_123 = arith.shrui %add3A_121, %shift_right_logical3A_122 : i32
      %and3A_124 = arith.constant 4095 : i32
      %and3A_125 = arith.andi %add3A_121, %and3A_124 : i32
      %multiple_of3A_126 = tpu.assume_multiple %and3A_125, 512 : i32
      %dma_start3A_127 = arith.constant 0 : i32
      %dma_start3A_128 = arith.constant 0 : i32
      %dma_start3A_129 = tpu.memref_slice %arg9[%dma_start3A_127, %dma_start3A_128] : memref<32x513xf32, #tpu.memory_space<vmem>> -> memref<32x512xf32, #tpu.memory_space<vmem>>
      %dma_start3A_130 = arith.constant 0 : i32
      %dma_start3A_131 = tpu.memref_slice %arg4[%shift_right_logical3A_123, %dma_start3A_130, %multiple_of3A_126] : memref<200x32x4096xf32, #tpu.memory_space<hbm>> -> memref<1x32x512xf32, #tpu.memory_space<hbm>>
      %dma_start3A_132 = tpu.memref_squeeze %dma_start3A_131 : memref<1x32x512xf32, #tpu.memory_space<hbm>> -> memref<32x512xf32, #tpu.memory_space<hbm>>
      %dma_start3A_133 = arith.constant 0 : i32
      %dma_start3A_134 = tpu.memref_slice %arg4[%shift_right_logical3A_123, %dma_start3A_133, %multiple_of3A_126] : memref<200x32x4096xf32, #tpu.memory_space<hbm>> -> memref<1x32x512xf32, #tpu.memory_space<hbm>>
      %dma_start3A_135 = tpu.memref_squeeze %dma_start3A_134 : memref<1x32x512xf32, #tpu.memory_space<hbm>> -> memref<32x512xf32, #tpu.memory_space<hbm>>
      %dma_start3A_136 = arith.constant 0 : i32
      %dma_start3A_137 = arith.constant 0 : i32
      %dma_start3A_138 = tpu.memref_slice %arg9[%dma_start3A_136, %dma_start3A_137] : memref<32x513xf32, #tpu.memory_space<vmem>> -> memref<32x512xf32, #tpu.memory_space<vmem>>
      tpu.enqueue_dma source(%dma_start3A_138 : memref<32x512xf32, #tpu.memory_space<vmem>>) target(%dma_start3A_135 : memref<32x512xf32, #tpu.memory_space<hbm>>) target_semaphore(%arg13 : memref<!tpu.dma_semaphore, #tpu.memory_space<semaphore_mem>>)
      %add3A_139 = arith.constant 2 : i32
      %add3A_140 = arith.addi %add3A_98, %add3A_139 : i32
      %lt3A_141 = arith.constant 50 : i32
      %lt3A_142 = arith.cmpi slt, %add3A_140, %lt3A_141 : i32
      %convert_element_type3A_143 = arith.extui %lt3A_142 : i1 to i32
      %cond3A_144 = arith.constant 0 : i32
      %cond3A_145 = arith.cmpi ne, %convert_element_type3A_143, %cond3A_144 : i32
      scf.if %cond3A_145 {
        %add3A_146 = arith.constant 2 : i32
        %add3A_147 = arith.addi %add3A_98, %add3A_146 : i32
        %mul3A_148 = arith.constant 512 : i32
        %mul3A_149 = arith.muli %add3A_147, %mul3A_148 : i32
        %multiple_of3A_150 = tpu.assume_multiple %mul3A_149, 8 : i32
        %dma_start3A_151 = tpu.memref_slice %arg5[%multiple_of3A_150] : memref<25600xi32, #tpu.memory_space<vmem>> -> memref<512xi32, #tpu.memory_space<vmem>>
        %dma_start3A_152 = arith.constant 0 : i32
        %dma_start3A_153 = arith.constant 0 : i32
        %dma_start3A_154 = tpu.memref_slice %arg3[%dma_start3A_152, %dma_start3A_153] : memref<1000000x32xf32, #tpu.memory_space<hbm>> -> memref<1000000x32xf32, #tpu.memory_space<hbm>>
        tpu.enqueue_indirect_dma source(%dma_start3A_154 : memref<1000000x32xf32, #tpu.memory_space<hbm>>) target(%arg7 : memref<512x32xf32, #tpu.memory_space<vmem>>) offsets(%dma_start3A_151 : memref<512xi32, #tpu.memory_space<vmem>>) semaphore(%arg11 : memref<!tpu.dma_semaphore, #tpu.memory_space<semaphore_mem>>)
      } else {
      }
    }
    %scan3A_16 = arith.constant 25 : i32
    %dma_wait3A = arith.constant 0 : i32
    %dma_wait3A_17 = arith.constant 0 : i32
    %dma_wait3A_18 = arith.constant 0 : i32
    %dma_wait3A_19 = tpu.memref_slice %arg8[%dma_wait3A_17, %dma_wait3A_18] : memref<32x513xf32, #tpu.memory_space<vmem>> -> memref<32x512xf32, #tpu.memory_space<vmem>>
    %dma_wait3A_20 = arith.constant 0 : i32
    %dma_wait3A_21 = arith.constant 0 : i32
    %dma_wait3A_22 = tpu.memref_slice %arg4[%dma_wait3A, %dma_wait3A_20, %dma_wait3A_21] : memref<200x32x4096xf32, #tpu.memory_space<hbm>> -> memref<1x32x512xf32, #tpu.memory_space<hbm>>
    %dma_wait3A_23 = tpu.memref_squeeze %dma_wait3A_22 : memref<1x32x512xf32, #tpu.memory_space<hbm>> -> memref<32x512xf32, #tpu.memory_space<hbm>>
    %dma_wait3A_24 = arith.constant 0 : i32
    %dma_wait3A_25 = arith.constant 0 : i32
    %dma_wait3A_26 = tpu.memref_slice %arg4[%dma_wait3A, %dma_wait3A_24, %dma_wait3A_25] : memref<200x32x4096xf32, #tpu.memory_space<hbm>> -> memref<1x32x512xf32, #tpu.memory_space<hbm>>
    %dma_wait3A_27 = tpu.memref_squeeze %dma_wait3A_26 : memref<1x32x512xf32, #tpu.memory_space<hbm>> -> memref<32x512xf32, #tpu.memory_space<hbm>>
    %dma_wait3A_28 = arith.constant 0 : i32
    %dma_wait3A_29 = arith.constant 0 : i32
    %dma_wait3A_30 = tpu.memref_slice %arg8[%dma_wait3A_28, %dma_wait3A_29] : memref<32x513xf32, #tpu.memory_space<vmem>> -> memref<32x512xf32, #tpu.memory_space<vmem>>
    tpu.wait_dma2 semaphore(%arg12 : memref<!tpu.dma_semaphore, #tpu.memory_space<semaphore_mem>>) src(%dma_wait3A_30 : memref<32x512xf32, #tpu.memory_space<vmem>>) dst(%dma_wait3A_27 : memref<32x512xf32, #tpu.memory_space<hbm>>)
    %dma_wait3A_31 = arith.constant 0 : i32
    %dma_wait3A_32 = arith.constant 0 : i32
    %dma_wait3A_33 = arith.constant 0 : i32
    %dma_wait3A_34 = tpu.memref_slice %arg9[%dma_wait3A_32, %dma_wait3A_33] : memref<32x513xf32, #tpu.memory_space<vmem>> -> memref<32x512xf32, #tpu.memory_space<vmem>>
    %dma_wait3A_35 = arith.constant 0 : i32
    %dma_wait3A_36 = arith.constant 0 : i32
    %dma_wait3A_37 = tpu.memref_slice %arg4[%dma_wait3A_31, %dma_wait3A_35, %dma_wait3A_36] : memref<200x32x4096xf32, #tpu.memory_space<hbm>> -> memref<1x32x512xf32, #tpu.memory_space<hbm>>
    %dma_wait3A_38 = tpu.memref_squeeze %dma_wait3A_37 : memref<1x32x512xf32, #tpu.memory_space<hbm>> -> memref<32x512xf32, #tpu.memory_space<hbm>>
    %dma_wait3A_39 = arith.constant 0 : i32
    %dma_wait3A_40 = arith.constant 0 : i32
    %dma_wait3A_41 = tpu.memref_slice %arg4[%dma_wait3A_31, %dma_wait3A_39, %dma_wait3A_40] : memref<200x32x4096xf32, #tpu.memory_space<hbm>> -> memref<1x32x512xf32, #tpu.memory_space<hbm>>
    %dma_wait3A_42 = tpu.memref_squeeze %dma_wait3A_41 : memref<1x32x512xf32, #tpu.memory_space<hbm>> -> memref<32x512xf32, #tpu.memory_space<hbm>>
    %dma_wait3A_43 = arith.constant 0 : i32
    %dma_wait3A_44 = arith.constant 0 : i32
    %dma_wait3A_45 = tpu.memref_slice %arg9[%dma_wait3A_43, %dma_wait3A_44] : memref<32x513xf32, #tpu.memory_space<vmem>> -> memref<32x512xf32, #tpu.memory_space<vmem>>
    tpu.wait_dma2 semaphore(%arg13 : memref<!tpu.dma_semaphore, #tpu.memory_space<semaphore_mem>>) src(%dma_wait3A_45 : memref<32x512xf32, #tpu.memory_space<vmem>>) dst(%dma_wait3A_42 : memref<32x512xf32, #tpu.memory_space<hbm>>)
    return
  }
}

</mosaic_0001>

<sc_bundles>
// kernel: kernel.3.cloned.1.call-start
scs
__scs_entry_jumppad:
0x0: {  	(pc) =	sbr.rel $0x88, $3  }
0x1: {  	(tag) =	ssettag $0x0;
	lr =	simm.s32 $0x1  }
0x2: {  	[smem:$0x3F9F] =	sst lr;
	_ =	strace $0xD0000000  }
0x3: {  	_ = 	snop  }
0x4: {  	_ = 	snop  }
0x5: {  	_ = 	snop  }
0x6: {  	_ = 	snop  }
0x7: {  	_ = 	snop  }
__scs_overlays_trampoline_lowered:
0x8: {  	[smem:$0x3FAE] =	sst s0  }
0x9: {  	[smem:$0x3FAF] =	sst s1  }
0xa: {  	[smem:$0x3FB0] =	sst s2  }
0xb: {  	[smem:$0x3FB1] =	sst s3  }
0xc: {  	[smem:$0x3FB2] =	sst s4  }
0xd: {  	[smem:$0x3FB3] =	sst s5  }
0xe: {  	[smem:$0x3FB4] =	sst s6  }
0xf: {  	[smem:$0x3FB5] =	sst s7  }
0x10: {  	[smem:$0x3FB6] =	sst s8  }
0x11: {  	[smem:$0x3FB7] =	sst s9;
	s0 =	simm.s32 @!p0 $0x0  }
0x12: {  	s1 =	sld [smem:$0x3F9D];
	s0 =	simm.s32 @p0 $0x1  }
0x13: {  	[smem:$0x3FB8] =	sst s0;
	s0 =	simm.s32 @!p1 $0x0  }
0x14: {  	s2 =	sld [smem:$0x3F9C];
	s0 =	simm.s32 @p1 $0x1  }
0x15: {  	[smem:$0x3FB9] =	sst s0;
	s0 =	simm.s32 @!p2 $0x0  }
0x16: {  	s3 =	sld [smem:$0x3FDB];
	s0 =	simm.s32 @p2 $0x1  }
0x17: {  	s4 =	simm.s32 $0x1BF5;
	[smem:$0x3FBB] =	sst s0  }
0x18: {  	s0 =	sld [smem:$0x3F9E];
	_ =	swait.ge [sflag:s4], $0x0  }
0x19: {  	s7 =	sld [smem:$0x3F9F]  }
0x1a: {  	s8 =	sadd.s32 $0xFFFFE003, lr  }
0x1b: {  	s9 =	sadd.s32 $0xFFFFFEF7, lr;
	s5 =	simm.s32 $0xFFFFFFFF;
	p2 =	slt.u32 s8, $0xFFFFF086  }
0x1c: {  	p1 =	slt.u32 s9, $0xF7A;
	s5 =	simm.s32 @!p2 $0x0  }
0x1d: {  	s5 =	simm.s32 @p1 $0x1;
	p0 =	seq.s32 s7, s2  }
0x1e: {  	s7 =	smul.u32 @!p0 $0xF7A, s2;
	p2 =	seq.s32 @!p0 s5, $0x0  }
0x1f: {  	s9 =	smul.u32 $0xF7A, s1;
	s8 =	simm.s32 @!p0 $0x1BF5;
	p2 =	por !p2, p0  }
0x20: {  	[sflag:s8] =	ssyncset.s32 @!p0 $0xFFFFF086;
	s6 =	sadd.s32 @!p0 s3, s7;
	s7 =	simm.s32 @!p0 $0x108  }
0x21: {  	s3 =	sadd.s32 s3, s9;
	s6 =	sadd.s32 @!p0 $0x88, s6;
	s7 =	simm.s32 @p2 $0x1082  }
0x22: {  	[simem:s7], [sflag:s8] =	dma.local @!p0 [hbm:s6], $0xF7A  }
0x23: {  	s9 =	sor.u32 $0xD0000000, s2;
	s6 =	simm.s32 $0x108;
	_ =	swait.ge @!p0 [sflag:s8], $0x0  }
0x24: {  	s3 =	sadd.s32 $0x88, s3;
	s6 =	simm.s32 @!p1 $0x1082;
	[sflag:s4] =	ssyncset.s32 $0xFFFFF086  }
0x25: {  	[simem:s6], [sflag:s4] =	dma.local [hbm:s3], $0xF7A  }
0x26: {  	[smem:$0x3F9F] =	sst s1;
	(tag) =	ssettag s2;
	_ =	strace s9  }
0x27: {  	s1 =	sld [smem:$0x3FAF]  }
0x28: {  	s2 =	sld [smem:$0x3FB0]  }
0x29: {  	s4 =	sld [smem:$0x3FB2]  }
0x2a: {  	p0 =	seq.s32 s5, $0x0;
	s5 =	sld [smem:$0x3FB3]  }
0x2b: {  	s6 =	sld [smem:$0x3FB4]  }
0x2c: {  	s7 =	sld [smem:$0x3FB5]  }
0x2d: {  	s3 =	simm.s32 $0x108;
	s8 =	sld [smem:$0x3FB6]  }
0x2e: {  	s3 =	simm.s32 @!p0 $0x1082;
	s9 =	sld [smem:$0x3FB7]  }
0x2f: {  	lr =	sadd.s32 s0, s3;
	s0 =	sld [smem:$0x3FAE]  }
0x30: {  	s3 =	sld [smem:$0x3FB1]  }
0x31: {  	[smem:$0x3FBA] =	sst s10  }
0x32: {  	s10 =	sld [smem:$0x3FB8];
	_ =	sdelay $0x3  }
0x33: {  	p0 =	seq.s32 s10, $0x1;
	s10 =	sld [smem:$0x3FBA];
	_ =	sdelay $0x3  }
0x34: {  	[smem:$0x3FBA] =	sst s10  }
0x35: {  	s10 =	sld [smem:$0x3FB9];
	_ =	sdelay $0x3  }
0x36: {  	p1 =	seq.s32 s10, $0x1;
	s10 =	sld [smem:$0x3FBA];
	_ =	sdelay $0x3  }
0x37: {  	[smem:$0x3FBA] =	sst s10  }
0x38: {  	s10 =	sld [smem:$0x3FBB]  }
0x39: {  	_ = 	snop;
	(pc) =	sbr.ind lr, $3  }
0x3a: {  	_ = 	snop  }
0x3b: {  	_ = 	snop  }
0x3c: {  	p2 =	seq.s32 s10, $0x1;
	s10 =	sld [smem:$0x3FBA]  }
0x3d: {  	_ =	shalt  }
0x3e: {  	_ =	shalt  }
0x3f: {  	_ =	shalt  }
0x40: {  	_ =	shalt  }
0x41: {  	_ =	shalt  }
0x42: {  	_ =	shalt  }
0x43: {  	_ =	shalt  }
0x44: {  	_ =	shalt  }
0x45: {  	_ =	shalt  }
0x46: {  	_ =	shalt  }
0x47: {  	_ =	shalt  }
0x48: {  	_ =	shalt  }
0x49: {  	_ =	shalt  }
0x4a: {  	_ =	shalt  }
0x4b: {  	_ =	shalt  }
0x4c: {  	_ =	shalt  }
0x4d: {  	_ =	shalt  }
0x4e: {  	_ =	shalt  }
0x4f: {  	_ =	shalt  }
0x50: {  	_ =	shalt  }
0x51: {  	_ =	shalt  }
0x52: {  	_ =	shalt  }
0x53: {  	_ =	shalt  }
0x54: {  	_ =	shalt  }
0x55: {  	_ =	shalt  }
0x56: {  	_ =	shalt  }
0x57: {  	_ =	shalt  }
0x58: {  	_ =	shalt  }
0x59: {  	_ =	shalt  }
0x5a: {  	_ =	shalt  }
0x5b: {  	_ =	shalt  }
0x5c: {  	_ =	shalt  }
0x5d: {  	_ =	shalt  }
0x5e: {  	_ =	shalt  }
0x5f: {  	_ =	shalt  }
0x60: {  	_ =	shalt  }
0x61: {  	_ =	shalt  }
0x62: {  	_ =	shalt  }
0x63: {  	_ =	shalt  }
0x64: {  	_ =	shalt  }
0x65: {  	_ =	shalt  }
0x66: {  	_ =	shalt  }
0x67: {  	_ =	shalt  }
0x68: {  	_ =	shalt  }
0x69: {  	_ =	shalt  }
0x6a: {  	_ =	shalt  }
0x6b: {  	_ =	shalt  }
0x6c: {  	_ =	shalt  }
0x6d: {  	_ =	shalt  }
0x6e: {  	_ =	shalt  }
0x6f: {  	_ =	shalt  }
0x70: {  	_ =	shalt  }
0x71: {  	_ =	shalt  }
0x72: {  	_ =	shalt  }
0x73: {  	_ =	shalt  }
0x74: {  	_ =	shalt  }
0x75: {  	_ =	shalt  }
0x76: {  	_ =	shalt  }
0x77: {  	_ =	shalt  }
0x78: {  	_ =	shalt  }
0x79: {  	_ =	shalt  }
0x7a: {  	_ =	shalt  }
0x7b: {  	_ =	shalt  }
0x7c: {  	_ =	shalt  }
0x7d: {  	_ =	shalt  }
0x7e: {  	_ =	shalt  }
0x7f: {  	_ =	shalt  }
0x80: {  	_ =	shalt  }
0x81: {  	_ =	shalt  }
0x82: {  	_ =	shalt  }
0x83: {  	_ =	shalt  }
0x84: {  	_ =	shalt  }
0x85: {  	_ =	shalt  }
0x86: {  	_ =	shalt  }
0x87: {  	_ =	shalt  }
.Lfunc_end0:
.L_simem_size_0:
called_computation_lowered:
.L_overlay_start_0:
0x88: {  	s2 =	sld [smem:$0x3FD9]  }
0x89: {  	s3 =	sld [smem:$0x3FFE];
	_ =	sdelay $0x1  }
0x8a: {  	s1 =	srdreg.scid  }
0x8b: {  	s0 =	sand.u32 $0x1, s1  }
0x8c: {  	s17 =	sshll.u32 s0, $0xA;
	s2 =	sadd.s32 s3, s2  }
0x8d: {  	s2 =	sadd.s32 s2, s17  }
0x8e: {  	[smem:$0x3FC6] =	sst s2  }
0x8f: {  	_ = 	snop  }
0x90: {  	s2 =	sld [smem:$0x3FD0];
	(tm) =	ssettm $0x1  }
0x91: {  	s18 =	sld [smem:$0x3FFB];
	_ =	sdelay $0x3  }
0x92: {  	_ =	strace s18  }
0x93: {  	s3 =	sld [smem:$0x3FFC];
	_ =	sdelay $0x3  }
0x94: {  	_ =	strace s3  }
0x95: {  	s3 =	sld [smem:$0x3FFD];
	_ =	sdelay $0x3  }
0x96: {  	_ =	strace s3  }
0x97: {  	_ =	strace $0x8FFFFFFF  }
0x98: {  	s19 =	sld [smem:$0x3FDB];
	_ =	sdelay $0x1  }
0x99: {  	s4 =	simm.s32 $_scs_section_size  }
0x9a: {  	s5 =	simm.s32 $_size__tile_overlayer_lowered;
	s6 =	simm.s32 $_tile_overlayer_lowered  }
0x9b: {  	s22 =	simm.s32 $0x1BFF;
	s21 =	sshll.u32 s6, $0x1;
	s3 =	sadd.s32 s4, s19  }
0x9c: {  	s7 =	simm.s32 $0x0;
	s20 =	sshll.u32 s5, $0x1;
	s5 =	sadd.s32 s21, s3  }
0x9d: {  	[timem:s7], [sflag:s22] =	dma.local [hbm:s5], s20  }
0x9e: {  	_ =	swait.ge [sflag:s22], s20  }
0x9f: {  	s4 =	ssub.s32 $0x0, s20;
	[sflag:s22] =	ssyncset.done $0x0  }
0xa0: {  	[sflag:s22] =	ssyncadd.s32 s4;
	_ =	sdelay $0x1  }
0xa1: {  	s23 =	simm.s32 $0x1B8B  }
0xa2: {  	_ =	swait.ge [sflag:s23], $0x1  }
0xa3: {  	[sflag:s23] =	ssyncset.done $0x0  }
0xa4: {  	s25 =	simm.s32 $0x1B8E;
	s24 =	sld [smem:$0x3FFE];
	[sflag:s23] =	ssyncadd.s32 $0xFFFFFFFF  }
0xa5: {  	s26 =	simm.s32 $execute0_lowered;
	[smem:$0x3FD2] =	sst s25  }
0xa6: {  	s5 =	sshll.u32 s26, $0x1;
	_ =	strace $0x80000046;
	[dreg:$0x1] =	wrdreg $0xFFFFFFFF  }
0xa7: {  	s28 =	simm.s32 $_size_execute0_lowered;
	s3 =	sadd.s32 s3, s5;
	[dreg:$0x0] =	wrdreg $0x0  }
0xa8: {  	s5 =	sshll.u32 s28, $0x1;
	[dreg:$0x2] =	wrdreg s3  }
0xa9: {  	[dreg:$0x3] =	wrdreg s5  }
0xaa: {  	[dreg:$0x4] =	wrdreg $0xC0  }
0xab: {  	_ =	task [dreg:s7], $0x5FFFF  }
0xac: {  	[dreg:$0x1] =	wrdreg $0xFFFFFFFF  }
0xad: {  	[dreg:$0x0] =	wrdreg $0x60  }
0xae: {  	[dreg:$0x2] =	wrdreg s2  }
0xaf: {  	[dreg:$0x3] =	wrdreg s24  }
0xb0: {  	[dreg:$0x4] =	wrdreg $0x9  }
0xb1: {  	_ =	task.clear_ibuf [dreg:s7], $0x5FFFF;
	_ =	strace $0x90000046  }
0xb2: {  	s29 =	simm.s32 $0x9;
	_ =	strace $0x80000048  }
0xb3: {  	_ =	swait.ge [sflag:s29], $0x1  }
0xb4: {  	[sflag:s29] =	ssyncadd.s32 $0xFFFFFFFF  }
0xb5: {  	_ =	strace $0x90000048  }
0xb6: {  	_ =	sfence  }
0xb7: {  	s30 =	sld [smem:$0x0];
	_ =	sdelay $0x2  }
0xb8: {  	s31 =	sshll.u32 s1, $0xD;
	s1 =	sshrl.u32 s1, $0x2  }
0xb9: {  	s3 =	sand.u32 $0x4000, s31;
	s1 =	sadd.s32 s1, s30  }
0xba: {  	s0 =	sor.u32 s3, s0;
	s1 =	sshll.u32 s1, $0x11  }
0xbb: {  	s0 =	sor.u32 s1, s0  }
0xbc: {  	s0 =	sadd.s32 $0x8F2B, s0  }
0xbd: {  	[sflag:s0] =	ssyncadd.remote.s32 $0x1  }
0xbe: {  	_ =	sfence.sel $0xFFFF  }
0xbf: {  	[dreg:$0x0] =	wrdreg $0xFFFFFFFF;
	(pc) =	sbr.abs _section_cstart, $3  }
0xc0: {  	[dreg:$0x1] =	wrdreg $0xFFFFFFFF  }
0xc1: {  	_ =	task.clear_ibuf [dreg:s7], $0x2FFFF;
	_ =	strace $0x9FFFFFFF  }
0xc2: {  	(tm) =	ssettm $0x7FFFFFFF  }
0xc3: {  	_ =	shalt  }
tec
execute0_lowered:
.L_overlay_start_1:
0x0: {  	(tag) =	ssettag $0x1  }
0x1: {  	s6 =	rddreg [dreg:$0x0];
	s1 =	srdreg.scid  }
0x2: {  	s0 =	stileid.u32;
	s5 =	rddreg [dreg:$0x1];
	s2 =	simm.s32 $0x0  }
0x3: {  	s10 =	simm.s32 $0x6400;
	s11 =	simm.s32 $0xA400;
	s12 =	simm.s32 $0x1  }
0x4: {  	v0 =	vlaneseq.u32;
	s13 =	simm.s32 $0xE400;
	s14 =	simm.s32 $0x2;
	s15 =	simm.s32 $0x4  }
0x5: {  	v1 =	vimm.s32 $0x0;
	vm0 =	vcmask $0x300;
	s16 =	simm.s32 $0x12500;
	s17 =	simm.s32 $0x3;
	s18 =	simm.s32 $0x0;
	v0 =	vmul.u32 $0x208, v0  }
0x6: {  	s4 =	sand.u32 $0x1, s1;
	s3 =	sshll.u32 s0, $0x1;
	s1 =	rddreg [dreg:$0x2];
	v1 =	vsel vm0, $0x3, v1  }
.Ltmp0:
0x7: {  	[smem:$0x7FF] =	sst s2;
	s3 =	sor.u32 s4, s3;
	v2 =	vadd.s32 $0x2080, v0;
	v3 =	vor.u32 $0x1, v0;
	v4 =	vadd.s32 $0x2081, v0;
	(pc) =	sbr.rel .LBB2_1-.Ltmp0, $4  }
0x8: {  	_ =	strace $0x80000047;
	s7 =	ssub.s32 $0x2, s4;
	s3 =	smul.u32 $0x6400, s3;
	v5 =	vor.u32 $0x2, v0;
	v6 =	vadd.s32 $0x2082, v0;
	v7 =	vor.u32 $0x3, v0  }
0x9: {  	s4 =	sadd.s32 $0xF42A00, s5;
	s5 =	sadd.s32 $0x600, s5;
	s8 =	sshrl.u32 s7, $0x1;
	v8 =	vadd.s32 $0x2083, v0;
	v9 =	vor.u32 $0x4, v0;
	v10 =	vadd.s32 $0x2084, v0  }
0xa: {  	v11 =	vor.u32 $0x5, v0;
	v12 =	vadd.s32 $0x2085, v0;
	v13 =	vor.u32 $0x6, v0;
	s7 =	ssub.s32 s7, s8;
	s8 =	simm.s32 $0x5;
	s9 =	sshrl.u32 s3, $0x3  }
0xb: {  	v14 =	vadd.s32 $0x2086, v0;
	v15 =	vor.u32 $0x7, v0;
	v16 =	vadd.s32 $0x2087, v0;
	s7 =	smax.u32 s7, $0x1;
	s6 =	sadd.s32 s6, s9;
	s9 =	simm.s32 $0x200  }
.LBB2_16:
0xc: {  	s18 =	sadd.s32 $0x1, s18  }
0xd: {  	_ =	swait.ge [sflag:s17], $0x4000;
	p0 =	sne.s32 s18, s7  }
.Ltmp1:
0xe: {  	[sflag:s17] =	ssyncset.done $0x0;
	(pc) =	sbr.rel @!p0 .LBB2_17-.Ltmp1, $4  }
0xf: {  	[sflag:s17] =	ssyncadd.s32 $0xFFFFC000  }
0x10: {  	_ =	swait.ge [sflag:s15], $0x4000  }
0x11: {  	[sflag:s15] =	ssyncset.done $0x0  }
0x12: {  	[sflag:s15] =	ssyncadd.s32 $0xFFFFC000  }
.LBB2_1:
0x13: {  	[tilespmem:s2], [sflag:$0x5] =	stream.linear.gather [hbm4b:s6+s2], $0x6400, $0x38;
	[tilespmem:$0x16600] =	vst v63  }
0x14: {  	_ =	swait.ge [sflag:s8], $0x6400  }
0x15: {  	[sflag:s8] =	ssyncset.done $0x0  }
0x16: {  	[sflag:s8] =	ssyncadd.s32 $0xFFFF9C00  }
0x17: {  	[tilespmem:s10], [sflag:$0x1] =	stream.indirect.gather [hbm4b:s4+s9], $0x20, s2, s9, $0xb8;
	[tilespmem:$0x16600] =	vst v63  }
0x18: {  	s19 =	simm.s32 $0x0  }
0x19: {  	[tilespmem:s11], [sflag:$0x2] =	stream.indirect.gather [hbm4b:s4+s9], $0x20, s9, s9, $0xb8;
	[tilespmem:$0x16600] =	vst v63  }
.LBB2_2:
0x1a: {  	_ =	swait.ge [sflag:s12], $0x4000  }
0x1b: {  	p0 =	seq.s32 s19, $0x0;
	[sflag:s12] =	ssyncset.done $0x0  }
0x1c: {  	s21 =	simm.s32 $0x0;
	s20 =	simm.s32 @!p0 $0x3;
	[sflag:s12] =	ssyncadd.s32 $0xFFFFC000  }
0x1d: {  	v17 =	vmov s21;
	_ =	swait.ge @!p0 [sflag:s20], $0x4000  }
0x1e: {  	v17 =	vshrl.u32 v17, $0x3;
	[sflag:s20] =	ssyncset.done @!p0 $0x0  }
0x1f: {  	s21 =	simm.s32 $0x6480;
	v17 =	vshll.u32 v17, v1;
	[sflag:s20] =	ssyncadd.s32 @!p0 $0xFFFFC000  }
0x20: {  	v17 =	vbroadcast v17, $0x0;
	v18 =	vld [tilespmem:s21+$0xFFFFFF80];
	_ =	sdelay $0x1  }
0x21: {  	v19 =	vadd.s32 v0, v17;
	_ =	sdelay $0x2  }
0x22: {  	v18 =	vmul.f32 $5.656854150e+00, v18;
	_ =	sdelay $0x1  }
0x23: {  	[tilespmem:v19+s13+$0x0] =	vst.idx.msk $0xffff, v18  }
0x24: {  	v18 =	vld [tilespmem:s21+$0xFFFFFF90];
	_ =	sdelay $0x1  }
0x25: {  	v17 =	vadd.s32 v2, v17;
	_ =	sdelay $0x1  }
0x26: {  	s23 =	simm.s32 $0x1  }
0x27: {  	v19 =	vmov s23;
	v18 =	vmul.f32 $5.656854150e+00, v18  }
0x28: {  	v19 =	vshrl.u32 v19, $0x3  }
0x29: {  	[tilespmem:v17+s13+$0x0] =	vst.idx.msk $0xffff, v18;
	v17 =	vshll.u32 v19, v1  }
0x2a: {  	v18 =	vld [tilespmem:s21+$0xFFFFFFA0];
	v17 =	vbroadcast v17, $0x0;
	_ =	sdelay $0x1  }
0x2b: {  	v19 =	vadd.s32 v3, v17;
	_ =	sdelay $0x2  }
0x2c: {  	v18 =	vmul.f32 $5.656854150e+00, v18;
	_ =	sdelay $0x1  }
0x2d: {  	[tilespmem:v19+s13+$0x0] =	vst.idx.msk $0xffff, v18  }
0x2e: {  	v18 =	vld [tilespmem:s21+$0xFFFFFFB0];
	_ =	sdelay $0x1  }
0x2f: {  	v17 =	vadd.s32 v4, v17;
	_ =	sdelay $0x1  }
0x30: {  	s24 =	simm.s32 $0x2  }
0x31: {  	v19 =	vmov s24;
	v18 =	vmul.f32 $5.656854150e+00, v18  }
0x32: {  	v19 =	vshrl.u32 v19, $0x3  }
0x33: {  	[tilespmem:v17+s13+$0x0] =	vst.idx.msk $0xffff, v18;
	v17 =	vshll.u32 v19, v1  }
0x34: {  	v18 =	vld [tilespmem:s21+$0xFFFFFFC0];
	v17 =	vbroadcast v17, $0x0;
	_ =	sdelay $0x1  }
0x35: {  	v19 =	vadd.s32 v5, v17;
	_ =	sdelay $0x2  }
0x36: {  	v18 =	vmul.f32 $5.656854150e+00, v18;
	_ =	sdelay $0x1  }
0x37: {  	[tilespmem:v19+s13+$0x0] =	vst.idx.msk $0xffff, v18  }
0x38: {  	v18 =	vld [tilespmem:s21+$0xFFFFFFD0];
	_ =	sdelay $0x1  }
0x39: {  	v17 =	vadd.s32 v6, v17;
	_ =	sdelay $0x1  }
0x3a: {  	s25 =	simm.s32 $0x3  }
0x3b: {  	v19 =	vmov s25;
	v18 =	vmul.f32 $5.656854150e+00, v18  }
0x3c: {  	v19 =	vshrl.u32 v19, $0x3  }
0x3d: {  	[tilespmem:v17+s13+$0x0] =	vst.idx.msk $0xffff, v18;
	v17 =	vshll.u32 v19, v1  }
0x3e: {  	v18 =	vld [tilespmem:s21+$0xFFFFFFE0];
	v17 =	vbroadcast v17, $0x0;
	_ =	sdelay $0x1  }
0x3f: {  	v19 =	vadd.s32 v7, v17;
	_ =	sdelay $0x2  }
0x40: {  	v18 =	vmul.f32 $5.656854150e+00, v18;
	_ =	sdelay $0x1  }
0x41: {  	[tilespmem:v19+s13+$0x0] =	vst.idx.msk $0xffff, v18  }
0x42: {  	v18 =	vld [tilespmem:s21+$0xFFFFFFF0];
	_ =	sdelay $0x1  }
0x43: {  	v17 =	vadd.s32 v8, v17;
	_ =	sdelay $0x1  }
0x44: {  	s26 =	simm.s32 $0x4  }
0x45: {  	v19 =	vmov s26;
	v18 =	vmul.f32 $5.656854150e+00, v18  }
0x46: {  	v19 =	vshrl.u32 v19, $0x3  }
0x47: {  	[tilespmem:v17+s13+$0x0] =	vst.idx.msk $0xffff, v18;
	v17 =	vshll.u32 v19, v1  }
0x48: {  	v18 =	vld [tilespmem:s21+$0x0];
	v17 =	vbroadcast v17, $0x0;
	_ =	sdelay $0x1  }
0x49: {  	v19 =	vadd.s32 v9, v17;
	_ =	sdelay $0x2  }
0x4a: {  	v18 =	vmul.f32 $5.656854150e+00, v18;
	_ =	sdelay $0x1  }
0x4b: {  	[tilespmem:v19+s13+$0x0] =	vst.idx.msk $0xffff, v18  }
0x4c: {  	v18 =	vld [tilespmem:s21+$0x10];
	_ =	sdelay $0x1  }
0x4d: {  	v17 =	vadd.s32 v10, v17;
	_ =	sdelay $0x1  }
0x4e: {  	s28 =	simm.s32 $0x5  }
0x4f: {  	v19 =	vmov s28;
	v18 =	vmul.f32 $5.656854150e+00, v18  }
0x50: {  	v19 =	vshrl.u32 v19, $0x3  }
0x51: {  	[tilespmem:v17+s13+$0x0] =	vst.idx.msk $0xffff, v18;
	v17 =	vshll.u32 v19, v1  }
0x52: {  	v18 =	vld [tilespmem:s21+$0x20];
	v17 =	vbroadcast v17, $0x0;
	_ =	sdelay $0x1  }
0x53: {  	v19 =	vadd.s32 v11, v17;
	_ =	sdelay $0x2  }
0x54: {  	v18 =	vmul.f32 $5.656854150e+00, v18;
	_ =	sdelay $0x1  }
0x55: {  	[tilespmem:v19+s13+$0x0] =	vst.idx.msk $0xffff, v18  }
0x56: {  	v18 =	vld [tilespmem:s21+$0x30];
	_ =	sdelay $0x1  }
0x57: {  	v17 =	vadd.s32 v12, v17;
	_ =	sdelay $0x1  }
0x58: {  	s29 =	simm.s32 $0x6  }
0x59: {  	v19 =	vmov s29;
	v18 =	vmul.f32 $5.656854150e+00, v18  }
0x5a: {  	v19 =	vshrl.u32 v19, $0x3  }
0x5b: {  	[tilespmem:v17+s13+$0x0] =	vst.idx.msk $0xffff, v18;
	v17 =	vshll.u32 v19, v1  }
0x5c: {  	v18 =	vld [tilespmem:s21+$0x40];
	v17 =	vbroadcast v17, $0x0;
	_ =	sdelay $0x1  }
0x5d: {  	v19 =	vadd.s32 v13, v17;
	_ =	sdelay $0x2  }
0x5e: {  	v18 =	vmul.f32 $5.656854150e+00, v18;
	_ =	sdelay $0x1  }
0x5f: {  	[tilespmem:v19+s13+$0x0] =	vst.idx.msk $0xffff, v18  }
0x60: {  	v18 =	vld [tilespmem:s21+$0x50];
	_ =	sdelay $0x1  }
0x61: {  	v17 =	vadd.s32 v14, v17;
	_ =	sdelay $0x1  }
0x62: {  	s30 =	simm.s32 $0x7  }
0x63: {  	v19 =	vmov s30;
	v18 =	vmul.f32 $5.656854150e+00, v18  }
0x64: {  	v19 =	vshrl.u32 v19, $0x3  }
0x65: {  	[tilespmem:v17+s13+$0x0] =	vst.idx.msk $0xffff, v18;
	v17 =	vshll.u32 v19, v1  }
0x66: {  	v18 =	vld [tilespmem:s21+$0x60];
	v17 =	vbroadcast v17, $0x0;
	_ =	sdelay $0x1  }
0x67: {  	v19 =	vadd.s32 v15, v17;
	_ =	sdelay $0x2  }
0x68: {  	v18 =	vmul.f32 $5.656854150e+00, v18;
	_ =	sdelay $0x1  }
0x69: {  	[tilespmem:v19+s13+$0x0] =	vst.idx.msk $0xffff, v18  }
0x6a: {  	v18 =	vld [tilespmem:s21+$0x70];
	_ =	sdelay $0x1  }
0x6b: {  	v17 =	vadd.s32 v16, v17  }
0x6c: {  	s31 =	simm.s32 $0x8  }
0x6d: {  	v19 =	vmov s31  }
0x6e: {  	s22 =	simm.s32 $0xF;
	s20 =	sshll.u32 s19, $0xC;
	s23 =	simm.s32 $0x17;
	v19 =	vshrl.u32 v19, $0x3;
	v18 =	vmul.f32 $5.656854150e+00, v18  }
.LBB2_3:
0x6f: {  	p1 =	sne.s32 s23, $0x1FF  }
0x70: {  	v19 =	vshll.u32 v19, v1;
	[tilespmem:v17+s13+$0x0] =	vst.idx.msk $0xffff, v18;
	s21 =	sadd.s32 $0x100, s21;
	s24 =	smov.u32 s23;
	s23 =	sadd.s32 $0x8, s23  }
0x71: {  	v17 =	vld [tilespmem:s21+$0xFFFFFF80];
	v18 =	vbroadcast v19, $0x0;
	_ =	sdelay $0x1  }
0x72: {  	v19 =	vadd.s32 v0, v18;
	_ =	sdelay $0x2  }
0x73: {  	v17 =	vmul.f32 $5.656854150e+00, v17;
	_ =	sdelay $0x1  }
0x74: {  	[tilespmem:v19+s13+$0x0] =	vst.idx.msk $0xffff, v17  }
0x75: {  	v17 =	vld [tilespmem:s21+$0xFFFFFF90];
	_ =	sdelay $0x1  }
0x76: {  	v18 =	vadd.s32 v2, v18;
	_ =	sdelay $0x1  }
0x77: {  	s25 =	sadd.s32 $0xFFFFFFFA, s22  }
0x78: {  	v19 =	vmov s25;
	v17 =	vmul.f32 $5.656854150e+00, v17  }
0x79: {  	v19 =	vshrl.u32 v19, $0x3  }
0x7a: {  	[tilespmem:v18+s13+$0x0] =	vst.idx.msk $0xffff, v17;
	v17 =	vshll.u32 v19, v1  }
0x7b: {  	v18 =	vld [tilespmem:s21+$0xFFFFFFA0];
	v17 =	vbroadcast v17, $0x0;
	_ =	sdelay $0x1  }
0x7c: {  	v19 =	vadd.s32 v3, v17;
	_ =	sdelay $0x2  }
0x7d: {  	v18 =	vmul.f32 $5.656854150e+00, v18;
	_ =	sdelay $0x1  }
0x7e: {  	[tilespmem:v19+s13+$0x0] =	vst.idx.msk $0xffff, v18  }
0x7f: {  	v18 =	vld [tilespmem:s21+$0xFFFFFFB0];
	_ =	sdelay $0x1  }
0x80: {  	v17 =	vadd.s32 v4, v17;
	_ =	sdelay $0x1  }
0x81: {  	s25 =	sadd.s32 $0xFFFFFFFB, s22  }
0x82: {  	v19 =	vmov s25;
	v18 =	vmul.f32 $5.656854150e+00, v18  }
0x83: {  	v19 =	vshrl.u32 v19, $0x3  }
0x84: {  	[tilespmem:v17+s13+$0x0] =	vst.idx.msk $0xffff, v18;
	v17 =	vshll.u32 v19, v1  }
0x85: {  	v18 =	vld [tilespmem:s21+$0xFFFFFFC0];
	v17 =	vbroadcast v17, $0x0;
	_ =	sdelay $0x1  }
0x86: {  	v19 =	vadd.s32 v5, v17;
	_ =	sdelay $0x2  }
0x87: {  	v18 =	vmul.f32 $5.656854150e+00, v18;
	_ =	sdelay $0x1  }
0x88: {  	[tilespmem:v19+s13+$0x0] =	vst.idx.msk $0xffff, v18  }
0x89: {  	v18 =	vld [tilespmem:s21+$0xFFFFFFD0];
	_ =	sdelay $0x1  }
0x8a: {  	v17 =	vadd.s32 v6, v17;
	_ =	sdelay $0x1  }
0x8b: {  	s25 =	sadd.s32 $0xFFFFFFFC, s22  }
0x8c: {  	v19 =	vmov s25;
	v18 =	vmul.f32 $5.656854150e+00, v18  }
0x8d: {  	v19 =	vshrl.u32 v19, $0x3  }
0x8e: {  	[tilespmem:v17+s13+$0x0] =	vst.idx.msk $0xffff, v18;
	v17 =	vshll.u32 v19, v1  }
0x8f: {  	v18 =	vld [tilespmem:s21+$0xFFFFFFE0];
	v17 =	vbroadcast v17, $0x0;
	_ =	sdelay $0x1  }
0x90: {  	v19 =	vadd.s32 v7, v17;
	_ =	sdelay $0x2  }
0x91: {  	v18 =	vmul.f32 $5.656854150e+00, v18;
	_ =	sdelay $0x1  }
0x92: {  	[tilespmem:v19+s13+$0x0] =	vst.idx.msk $0xffff, v18  }
0x93: {  	v18 =	vld [tilespmem:s21+$0xFFFFFFF0];
	_ =	sdelay $0x1  }
0x94: {  	v17 =	vadd.s32 v8, v17;
	_ =	sdelay $0x1  }
0x95: {  	s25 =	sadd.s32 $0xFFFFFFFD, s22  }
0x96: {  	v19 =	vmov s25;
	v18 =	vmul.f32 $5.656854150e+00, v18  }
0x97: {  	v19 =	vshrl.u32 v19, $0x3  }
0x98: {  	[tilespmem:v17+s13+$0x0] =	vst.idx.msk $0xffff, v18;
	v17 =	vshll.u32 v19, v1  }
0x99: {  	v18 =	vld [tilespmem:s21+$0x0];
	v17 =	vbroadcast v17, $0x0;
	_ =	sdelay $0x1  }
0x9a: {  	v19 =	vadd.s32 v9, v17;
	_ =	sdelay $0x2  }
0x9b: {  	v18 =	vmul.f32 $5.656854150e+00, v18;
	_ =	sdelay $0x1  }
0x9c: {  	[tilespmem:v19+s13+$0x0] =	vst.idx.msk $0xffff, v18  }
0x9d: {  	v18 =	vld [tilespmem:s21+$0x10];
	_ =	sdelay $0x1  }
0x9e: {  	v17 =	vadd.s32 v10, v17;
	_ =	sdelay $0x1  }
0x9f: {  	s25 =	sadd.s32 $0xFFFFFFFE, s22  }
0xa0: {  	v19 =	vmov s25;
	v18 =	vmul.f32 $5.656854150e+00, v18  }
0xa1: {  	v19 =	vshrl.u32 v19, $0x3  }
0xa2: {  	[tilespmem:v17+s13+$0x0] =	vst.idx.msk $0xffff, v18;
	v17 =	vshll.u32 v19, v1  }
0xa3: {  	v18 =	vld [tilespmem:s21+$0x20];
	v17 =	vbroadcast v17, $0x0;
	_ =	sdelay $0x1  }
0xa4: {  	v19 =	vadd.s32 v11, v17;
	_ =	sdelay $0x2  }
0xa5: {  	v18 =	vmul.f32 $5.656854150e+00, v18;
	_ =	sdelay $0x1  }
0xa6: {  	[tilespmem:v19+s13+$0x0] =	vst.idx.msk $0xffff, v18  }
0xa7: {  	v18 =	vld [tilespmem:s21+$0x30];
	_ =	sdelay $0x1  }
0xa8: {  	v17 =	vadd.s32 v12, v17;
	_ =	sdelay $0x1  }
0xa9: {  	s25 =	sadd.s32 $0xFFFFFFFF, s22  }
0xaa: {  	v19 =	vmov s25;
	v18 =	vmul.f32 $5.656854150e+00, v18  }
0xab: {  	v19 =	vshrl.u32 v19, $0x3  }
0xac: {  	[tilespmem:v17+s13+$0x0] =	vst.idx.msk $0xffff, v18;
	v17 =	vshll.u32 v19, v1  }
0xad: {  	v18 =	vld [tilespmem:s21+$0x40];
	v17 =	vbroadcast v17, $0x0;
	_ =	sdelay $0x1  }
0xae: {  	v19 =	vadd.s32 v13, v17;
	_ =	sdelay $0x2  }
0xaf: {  	v18 =	vmul.f32 $5.656854150e+00, v18;
	_ =	sdelay $0x1  }
0xb0: {  	[tilespmem:v19+s13+$0x0] =	vst.idx.msk $0xffff, v18  }
0xb1: {  	v18 =	vld [tilespmem:s21+$0x50];
	_ =	sdelay $0x1  }
0xb2: {  	v17 =	vadd.s32 v14, v17;
	_ =	sdelay $0x2  }
0xb3: {  	v19 =	vmov s22;
	s22 =	smov.u32 s24;
	v18 =	vmul.f32 $5.656854150e+00, v18  }
0xb4: {  	v19 =	vshrl.u32 v19, $0x3  }
0xb5: {  	[tilespmem:v17+s13+$0x0] =	vst.idx.msk $0xffff, v18;
	v17 =	vshll.u32 v19, v1  }
0xb6: {  	v18 =	vld [tilespmem:s21+$0x60];
	v17 =	vbroadcast v17, $0x0;
	_ =	sdelay $0x1  }
0xb7: {  	v19 =	vadd.s32 v15, v17;
	_ =	sdelay $0x2  }
0xb8: {  	v18 =	vmul.f32 $5.656854150e+00, v18;
	_ =	sdelay $0x1  }
0xb9: {  	[tilespmem:v19+s13+$0x0] =	vst.idx.msk $0xffff, v18  }
0xba: {  	v18 =	vld [tilespmem:s21+$0x70];
	_ =	sdelay $0x1  }
.Ltmp2:
0xbb: {  	v17 =	vadd.s32 v16, v17;
	(pc) =	sbr.rel @p1 .LBB2_3-.Ltmp2, $4  }
0xbc: {  	_ = 	snop  }
0xbd: {  	s24 =	sadd.s32 $0xFFFFFFF9, s22  }
0xbe: {  	v19 =	vmov s24;
	v18 =	vmul.f32 $5.656854150e+00, v18  }
0xbf: {  	v19 =	vshrl.u32 v19, $0x3  }
0xc0: {  	_ =	sdelay $0x3  }
0xc1: {  	v19 =	vshll.u32 v19, v1;
	[tilespmem:v17+s13+$0x0] =	vst.idx.msk $0xffff, v18;
	s21 =	sadd.s32 $0x100, s21  }
0xc2: {  	v17 =	vld [tilespmem:s21+$0xFFFFFF80];
	v18 =	vbroadcast v19, $0x0;
	_ =	sdelay $0x1  }
0xc3: {  	v19 =	vadd.s32 v0, v18;
	_ =	sdelay $0x2  }
0xc4: {  	v17 =	vmul.f32 $5.656854150e+00, v17;
	_ =	sdelay $0x1  }
0xc5: {  	[tilespmem:v19+s13+$0x0] =	vst.idx.msk $0xffff, v17  }
0xc6: {  	v17 =	vld [tilespmem:s21+$0xFFFFFF90];
	_ =	sdelay $0x1  }
0xc7: {  	v18 =	vadd.s32 v2, v18;
	_ =	sdelay $0x1  }
0xc8: {  	s23 =	sadd.s32 $0xFFFFFFFA, s22  }
0xc9: {  	v19 =	vmov s23;
	v17 =	vmul.f32 $5.656854150e+00, v17  }
0xca: {  	v19 =	vshrl.u32 v19, $0x3  }
0xcb: {  	[tilespmem:v18+s13+$0x0] =	vst.idx.msk $0xffff, v17;
	v17 =	vshll.u32 v19, v1  }
0xcc: {  	v18 =	vld [tilespmem:s21+$0xFFFFFFA0];
	v17 =	vbroadcast v17, $0x0;
	_ =	sdelay $0x1  }
0xcd: {  	v19 =	vadd.s32 v3, v17;
	_ =	sdelay $0x2  }
0xce: {  	v18 =	vmul.f32 $5.656854150e+00, v18;
	_ =	sdelay $0x1  }
0xcf: {  	[tilespmem:v19+s13+$0x0] =	vst.idx.msk $0xffff, v18  }
0xd0: {  	v18 =	vld [tilespmem:s21+$0xFFFFFFB0];
	_ =	sdelay $0x1  }
0xd1: {  	v17 =	vadd.s32 v4, v17;
	_ =	sdelay $0x1  }
0xd2: {  	s24 =	sadd.s32 $0xFFFFFFFB, s22  }
0xd3: {  	v19 =	vmov s24;
	v18 =	vmul.f32 $5.656854150e+00, v18  }
0xd4: {  	v19 =	vshrl.u32 v19, $0x3  }
0xd5: {  	[tilespmem:v17+s13+$0x0] =	vst.idx.msk $0xffff, v18;
	v17 =	vshll.u32 v19, v1  }
0xd6: {  	v18 =	vld [tilespmem:s21+$0xFFFFFFC0];
	v17 =	vbroadcast v17, $0x0;
	_ =	sdelay $0x1  }
0xd7: {  	v19 =	vadd.s32 v5, v17;
	_ =	sdelay $0x2  }
0xd8: {  	v18 =	vmul.f32 $5.656854150e+00, v18;
	_ =	sdelay $0x1  }
0xd9: {  	[tilespmem:v19+s13+$0x0] =	vst.idx.msk $0xffff, v18  }
0xda: {  	v18 =	vld [tilespmem:s21+$0xFFFFFFD0];
	_ =	sdelay $0x1  }
0xdb: {  	v17 =	vadd.s32 v6, v17;
	_ =	sdelay $0x1  }
0xdc: {  	s25 =	sadd.s32 $0xFFFFFFFC, s22  }
0xdd: {  	v19 =	vmov s25;
	v18 =	vmul.f32 $5.656854150e+00, v18  }
0xde: {  	v19 =	vshrl.u32 v19, $0x3  }
0xdf: {  	[tilespmem:v17+s13+$0x0] =	vst.idx.msk $0xffff, v18;
	v17 =	vshll.u32 v19, v1  }
0xe0: {  	v18 =	vld [tilespmem:s21+$0xFFFFFFE0];
	v17 =	vbroadcast v17, $0x0;
	_ =	sdelay $0x1  }
0xe1: {  	v19 =	vadd.s32 v7, v17;
	_ =	sdelay $0x2  }
0xe2: {  	v18 =	vmul.f32 $5.656854150e+00, v18;
	_ =	sdelay $0x1  }
0xe3: {  	[tilespmem:v19+s13+$0x0] =	vst.idx.msk $0xffff, v18  }
0xe4: {  	v18 =	vld [tilespmem:s21+$0xFFFFFFF0];
	_ =	sdelay $0x1  }
0xe5: {  	v17 =	vadd.s32 v8, v17;
	_ =	sdelay $0x1  }
0xe6: {  	s26 =	sadd.s32 $0xFFFFFFFD, s22  }
0xe7: {  	v19 =	vmov s26;
	v18 =	vmul.f32 $5.656854150e+00, v18  }
0xe8: {  	v19 =	vshrl.u32 v19, $0x3  }
0xe9: {  	[tilespmem:v17+s13+$0x0] =	vst.idx.msk $0xffff, v18;
	v17 =	vshll.u32 v19, v1  }
0xea: {  	v18 =	vld [tilespmem:s21+$0x0];
	v17 =	vbroadcast v17, $0x0;
	_ =	sdelay $0x1  }
0xeb: {  	v19 =	vadd.s32 v9, v17;
	_ =	sdelay $0x2  }
0xec: {  	v18 =	vmul.f32 $5.656854150e+00, v18;
	_ =	sdelay $0x1  }
0xed: {  	[tilespmem:v19+s13+$0x0] =	vst.idx.msk $0xffff, v18  }
0xee: {  	v18 =	vld [tilespmem:s21+$0x10];
	_ =	sdelay $0x1  }
0xef: {  	v17 =	vadd.s32 v10, v17;
	_ =	sdelay $0x1  }
0xf0: {  	s28 =	sadd.s32 $0xFFFFFFFE, s22  }
0xf1: {  	v19 =	vmov s28;
	v18 =	vmul.f32 $5.656854150e+00, v18  }
0xf2: {  	v19 =	vshrl.u32 v19, $0x3  }
0xf3: {  	[tilespmem:v17+s13+$0x0] =	vst.idx.msk $0xffff, v18;
	v17 =	vshll.u32 v19, v1  }
0xf4: {  	v18 =	vld [tilespmem:s21+$0x20];
	v17 =	vbroadcast v17, $0x0;
	_ =	sdelay $0x1  }
0xf5: {  	v19 =	vadd.s32 v11, v17;
	_ =	sdelay $0x2  }
0xf6: {  	v18 =	vmul.f32 $5.656854150e+00, v18;
	_ =	sdelay $0x1  }
0xf7: {  	[tilespmem:v19+s13+$0x0] =	vst.idx.msk $0xffff, v18  }
0xf8: {  	v18 =	vld [tilespmem:s21+$0x30];
	_ =	sdelay $0x1  }
0xf9: {  	v17 =	vadd.s32 v12, v17;
	_ =	sdelay $0x1  }
0xfa: {  	s29 =	sadd.s32 $0xFFFFFFFF, s22  }
0xfb: {  	v19 =	vmov s29;
	v18 =	vmul.f32 $5.656854150e+00, v18  }
0xfc: {  	v19 =	vshrl.u32 v19, $0x3  }
0xfd: {  	[tilespmem:v17+s13+$0x0] =	vst.idx.msk $0xffff, v18;
	v17 =	vshll.u32 v19, v1  }
0xfe: {  	v18 =	vld [tilespmem:s21+$0x40];
	v17 =	vbroadcast v17, $0x0;
	_ =	sdelay $0x1  }
0xff: {  	v19 =	vadd.s32 v13, v17;
	_ =	sdelay $0x2  }
0x100: {  	v18 =	vmul.f32 $5.656854150e+00, v18;
	_ =	sdelay $0x1  }
0x101: {  	[tilespmem:v19+s13+$0x0] =	vst.idx.msk $0xffff, v18  }
0x102: {  	v18 =	vld [tilespmem:s21+$0x50];
	_ =	sdelay $0x1  }
0x103: {  	v17 =	vadd.s32 v14, v17;
	_ =	sdelay $0x2  }
0x104: {  	v19 =	vmov s22;
	v18 =	vmul.f32 $5.656854150e+00, v18  }
0x105: {  	v19 =	vshrl.u32 v19, $0x3  }
0x106: {  	[tilespmem:v17+s13+$0x0] =	vst.idx.msk $0xffff, v18;
	v17 =	vshll.u32 v19, v1  }
0x107: {  	v18 =	vld [tilespmem:s21+$0x60];
	v17 =	vbroadcast v17, $0x0;
	_ =	sdelay $0x1  }
0x108: {  	v19 =	vadd.s32 v15, v17;
	_ =	sdelay $0x2  }
0x109: {  	v18 =	vmul.f32 $5.656854150e+00, v18;
	_ =	sdelay $0x1  }
0x10a: {  	[tilespmem:v19+s13+$0x0] =	vst.idx.msk $0xffff, v18  }
0x10b: {  	v18 =	vld [tilespmem:s21+$0x70];
	s21 =	sshll.u32 s19, $0xA  }
0x10c: {  	s30 =	sadd.s32 s3, s21  }
0x10d: {  	v17 =	vadd.s32 v16, v17;
	s31 =	sshll.u32 s30, $0x5  }
0x10e: {  	s22 =	sand.u32 $0xC00, s30;
	s23 =	sand.u32 $0x7FFE0000, s31  }
0x10f: {  	s22 =	sor.u32 s22, s23  }
0x110: {  	v18 =	vmul.f32 $5.656854150e+00, v18;
	s22 =	sshrl.u32 s22, $0x3  }
0x111: {  	s24 =	simm.s32 $0x200;
	s22 =	sadd.s32 s5, s22  }
0x112: {  	s25 =	simm.s32 $0xE608;
	s23 =	simm.s32 $0xE400;
	[tilespmem:v17+s13+$0x0] =	vst.idx.msk $0xffff, v18;
	s26 =	sadd.s32 $0x0, s22  }
.LBB2_5:
0x113: {  	[hbm4b:s26+s2] =	stream.linear.scatter [tilespmem:s23], [sflag:$0x3], $0x200, $0x38;
	[tilespmem:$0x16600] =	vst v63  }
0x114: {  	s26 =	smov.u32 s24;
	s23 =	smov.u32 s25;
	p1 =	sne.s32 s24, $0x3E00  }
.Ltmp3:
0x115: {  	s24 =	sadd.s32 $0x200, s24;
	(pc) =	sbr.rel @p1 .LBB2_5-.Ltmp3, $2  }
0x116: {  	_ =	sdelay $0x2  }
0x117: {  	s25 =	sadd.s32 $0x208, s25;
	s26 =	sadd.s32 s26, s22  }
0x118: {  	p1 =	sne.s32 s19, $0x18  }
.Ltmp4:
0x119: {  	_ = 	snop;
	(pc) =	sbr.rel @p1 .LBB2_8-.Ltmp4, $2  }
0x11a: {  	_ =	sdelay $0x2  }
0x11b: {  	[hbm4b:s26+s2] =	stream.linear.scatter [tilespmem:s23], [sflag:$0x3], $0x200, $0x38;
	[tilespmem:$0x16600] =	vst v63  }
.Ltmp5:
0x11c: {  	(pc) =	sbr.rel .LBB2_9-.Ltmp5, $4  }
0x11d: {  	_ = 	snop  }
0x11e: {  	_ =	swait.ge [sflag:s14], $0x4000  }
0x11f: {  	[sflag:s14] =	ssyncset.done $0x0  }
0x120: {  	[sflag:s14] =	ssyncadd.s32 $0xFFFFC000  }
.LBB2_8:
0x121: {  	s22 =	sshrl.u32 s20, $0x2  }
.Ltmp6:
0x122: {  	s22 =	sadd.s32 $0x400, s22;
	(pc) =	sbr.rel @p0 .LBB2_10-.Ltmp6, $4  }
0x123: {  	[tilespmem:s10], [sflag:$0x1] =	stream.indirect.gather [hbm4b:s4+s9], $0x20, s22, s9, $0xb8;
	[tilespmem:$0x16600] =	vst v63  }
0x124: {  	_ =	swait.ge [sflag:s14], $0x4000  }
0x125: {  	[sflag:s14] =	ssyncset.done $0x0  }
0x126: {  	[sflag:s14] =	ssyncadd.s32 $0xFFFFC000  }
.LBB2_9:
0x127: {  	_ =	swait.ge [sflag:s15], $0x4000  }
0x128: {  	[sflag:s15] =	ssyncset.done $0x0  }
0x129: {  	[sflag:s15] =	ssyncadd.s32 $0xFFFFC000  }
.LBB2_10:
0x12a: {  	s22 =	simm.s32 $0x0  }
0x12b: {  	v17 =	vmov s22  }
0x12c: {  	v17 =	vshrl.u32 v17, $0x3  }
0x12d: {  	s22 =	simm.s32 $0xA480;
	v17 =	vshll.u32 v17, v1  }
0x12e: {  	v18 =	vld [tilespmem:s22+$0xFFFFFF80];
	v17 =	vbroadcast v17, $0x0;
	_ =	sdelay $0x1  }
0x12f: {  	v19 =	vadd.s32 v0, v17;
	_ =	sdelay $0x2  }
0x130: {  	v18 =	vmul.f32 $5.656854150e+00, v18;
	_ =	sdelay $0x1  }
0x131: {  	[tilespmem:v19+s16+$0x0] =	vst.idx.msk $0xffff, v18  }
0x132: {  	v18 =	vld [tilespmem:s22+$0xFFFFFF90];
	_ =	sdelay $0x1  }
0x133: {  	v17 =	vadd.s32 v2, v17;
	_ =	sdelay $0x1  }
0x134: {  	s23 =	simm.s32 $0x1  }
0x135: {  	v19 =	vmov s23;
	v18 =	vmul.f32 $5.656854150e+00, v18  }
0x136: {  	v19 =	vshrl.u32 v19, $0x3  }
0x137: {  	[tilespmem:v17+s16+$0x0] =	vst.idx.msk $0xffff, v18;
	v17 =	vshll.u32 v19, v1  }
0x138: {  	v18 =	vld [tilespmem:s22+$0xFFFFFFA0];
	v17 =	vbroadcast v17, $0x0;
	_ =	sdelay $0x1  }
0x139: {  	v19 =	vadd.s32 v3, v17;
	_ =	sdelay $0x2  }
0x13a: {  	v18 =	vmul.f32 $5.656854150e+00, v18;
	_ =	sdelay $0x1  }
0x13b: {  	[tilespmem:v19+s16+$0x0] =	vst.idx.msk $0xffff, v18  }
0x13c: {  	v18 =	vld [tilespmem:s22+$0xFFFFFFB0];
	_ =	sdelay $0x1  }
0x13d: {  	v17 =	vadd.s32 v4, v17;
	_ =	sdelay $0x1  }
0x13e: {  	s24 =	simm.s32 $0x2  }
0x13f: {  	v19 =	vmov s24;
	v18 =	vmul.f32 $5.656854150e+00, v18  }
0x140: {  	v19 =	vshrl.u32 v19, $0x3  }
0x141: {  	[tilespmem:v17+s16+$0x0] =	vst.idx.msk $0xffff, v18;
	v17 =	vshll.u32 v19, v1  }
0x142: {  	v18 =	vld [tilespmem:s22+$0xFFFFFFC0];
	v17 =	vbroadcast v17, $0x0;
	_ =	sdelay $0x1  }
0x143: {  	v19 =	vadd.s32 v5, v17;
	_ =	sdelay $0x2  }
0x144: {  	v18 =	vmul.f32 $5.656854150e+00, v18;
	_ =	sdelay $0x1  }
0x145: {  	[tilespmem:v19+s16+$0x0] =	vst.idx.msk $0xffff, v18  }
0x146: {  	v18 =	vld [tilespmem:s22+$0xFFFFFFD0];
	_ =	sdelay $0x1  }
0x147: {  	v17 =	vadd.s32 v6, v17;
	_ =	sdelay $0x1  }
0x148: {  	s25 =	simm.s32 $0x3  }
0x149: {  	v19 =	vmov s25;
	v18 =	vmul.f32 $5.656854150e+00, v18  }
0x14a: {  	v19 =	vshrl.u32 v19, $0x3  }
0x14b: {  	[tilespmem:v17+s16+$0x0] =	vst.idx.msk $0xffff, v18;
	v17 =	vshll.u32 v19, v1  }
0x14c: {  	v18 =	vld [tilespmem:s22+$0xFFFFFFE0];
	v17 =	vbroadcast v17, $0x0;
	_ =	sdelay $0x1  }
0x14d: {  	v19 =	vadd.s32 v7, v17;
	_ =	sdelay $0x2  }
0x14e: {  	v18 =	vmul.f32 $5.656854150e+00, v18;
	_ =	sdelay $0x1  }
0x14f: {  	[tilespmem:v19+s16+$0x0] =	vst.idx.msk $0xffff, v18  }
0x150: {  	v18 =	vld [tilespmem:s22+$0xFFFFFFF0];
	_ =	sdelay $0x1  }
0x151: {  	v17 =	vadd.s32 v8, v17;
	_ =	sdelay $0x1  }
0x152: {  	s26 =	simm.s32 $0x4  }
0x153: {  	v19 =	vmov s26;
	v18 =	vmul.f32 $5.656854150e+00, v18  }
0x154: {  	v19 =	vshrl.u32 v19, $0x3  }
0x155: {  	[tilespmem:v17+s16+$0x0] =	vst.idx.msk $0xffff, v18;
	v17 =	vshll.u32 v19, v1  }
0x156: {  	v18 =	vld [tilespmem:s22+$0x0];
	v17 =	vbroadcast v17, $0x0;
	_ =	sdelay $0x1  }
0x157: {  	v19 =	vadd.s32 v9, v17;
	_ =	sdelay $0x2  }
0x158: {  	v18 =	vmul.f32 $5.656854150e+00, v18;
	_ =	sdelay $0x1  }
0x159: {  	[tilespmem:v19+s16+$0x0] =	vst.idx.msk $0xffff, v18  }
0x15a: {  	v18 =	vld [tilespmem:s22+$0x10];
	_ =	sdelay $0x1  }
0x15b: {  	v17 =	vadd.s32 v10, v17;
	_ =	sdelay $0x1  }
0x15c: {  	s28 =	simm.s32 $0x5  }
0x15d: {  	v19 =	vmov s28;
	v18 =	vmul.f32 $5.656854150e+00, v18  }
0x15e: {  	v19 =	vshrl.u32 v19, $0x3  }
0x15f: {  	[tilespmem:v17+s16+$0x0] =	vst.idx.msk $0xffff, v18;
	v17 =	vshll.u32 v19, v1  }
0x160: {  	v18 =	vld [tilespmem:s22+$0x20];
	v17 =	vbroadcast v17, $0x0;
	_ =	sdelay $0x1  }
0x161: {  	v19 =	vadd.s32 v11, v17;
	_ =	sdelay $0x2  }
0x162: {  	v18 =	vmul.f32 $5.656854150e+00, v18;
	_ =	sdelay $0x1  }
0x163: {  	[tilespmem:v19+s16+$0x0] =	vst.idx.msk $0xffff, v18  }
0x164: {  	v18 =	vld [tilespmem:s22+$0x30];
	_ =	sdelay $0x1  }
0x165: {  	v17 =	vadd.s32 v12, v17;
	_ =	sdelay $0x1  }
0x166: {  	s29 =	simm.s32 $0x6  }
0x167: {  	v19 =	vmov s29;
	v18 =	vmul.f32 $5.656854150e+00, v18  }
0x168: {  	v19 =	vshrl.u32 v19, $0x3  }
0x169: {  	[tilespmem:v17+s16+$0x0] =	vst.idx.msk $0xffff, v18;
	v17 =	vshll.u32 v19, v1  }
0x16a: {  	v18 =	vld [tilespmem:s22+$0x40];
	v17 =	vbroadcast v17, $0x0;
	_ =	sdelay $0x1  }
0x16b: {  	v19 =	vadd.s32 v13, v17;
	_ =	sdelay $0x2  }
0x16c: {  	v18 =	vmul.f32 $5.656854150e+00, v18;
	_ =	sdelay $0x1  }
0x16d: {  	[tilespmem:v19+s16+$0x0] =	vst.idx.msk $0xffff, v18  }
0x16e: {  	v18 =	vld [tilespmem:s22+$0x50];
	_ =	sdelay $0x1  }
0x16f: {  	v17 =	vadd.s32 v14, v17;
	_ =	sdelay $0x1  }
0x170: {  	s30 =	simm.s32 $0x7  }
0x171: {  	v19 =	vmov s30;
	v18 =	vmul.f32 $5.656854150e+00, v18  }
0x172: {  	v19 =	vshrl.u32 v19, $0x3  }
0x173: {  	[tilespmem:v17+s16+$0x0] =	vst.idx.msk $0xffff, v18;
	v17 =	vshll.u32 v19, v1  }
0x174: {  	v18 =	vld [tilespmem:s22+$0x60];
	v17 =	vbroadcast v17, $0x0;
	_ =	sdelay $0x1  }
0x175: {  	v19 =	vadd.s32 v15, v17;
	_ =	sdelay $0x2  }
0x176: {  	v18 =	vmul.f32 $5.656854150e+00, v18;
	_ =	sdelay $0x1  }
0x177: {  	[tilespmem:v19+s16+$0x0] =	vst.idx.msk $0xffff, v18  }
0x178: {  	v18 =	vld [tilespmem:s22+$0x70];
	_ =	sdelay $0x1  }
0x179: {  	v17 =	vadd.s32 v16, v17  }
0x17a: {  	s31 =	simm.s32 $0x8  }
0x17b: {  	v19 =	vmov s31  }
0x17c: {  	s23 =	simm.s32 $0xF;
	s24 =	simm.s32 $0x17;
	v19 =	vshrl.u32 v19, $0x3;
	v18 =	vmul.f32 $5.656854150e+00, v18  }
.LBB2_11:
0x17d: {  	p0 =	sne.s32 s24, $0x1FF  }
0x17e: {  	v19 =	vshll.u32 v19, v1;
	[tilespmem:v17+s16+$0x0] =	vst.idx.msk $0xffff, v18;
	s22 =	sadd.s32 $0x100, s22;
	s25 =	smov.u32 s24;
	s24 =	sadd.s32 $0x8, s24  }
0x17f: {  	v17 =	vld [tilespmem:s22+$0xFFFFFF80];
	v18 =	vbroadcast v19, $0x0;
	_ =	sdelay $0x1  }
0x180: {  	v19 =	vadd.s32 v0, v18;
	_ =	sdelay $0x2  }
0x181: {  	v17 =	vmul.f32 $5.656854150e+00, v17;
	_ =	sdelay $0x1  }
0x182: {  	[tilespmem:v19+s16+$0x0] =	vst.idx.msk $0xffff, v17  }
0x183: {  	v17 =	vld [tilespmem:s22+$0xFFFFFF90];
	_ =	sdelay $0x1  }
0x184: {  	v18 =	vadd.s32 v2, v18;
	_ =	sdelay $0x1  }
0x185: {  	s26 =	sadd.s32 $0xFFFFFFFA, s23  }
0x186: {  	v19 =	vmov s26;
	v17 =	vmul.f32 $5.656854150e+00, v17  }
0x187: {  	v19 =	vshrl.u32 v19, $0x3  }
0x188: {  	[tilespmem:v18+s16+$0x0] =	vst.idx.msk $0xffff, v17;
	v17 =	vshll.u32 v19, v1  }
0x189: {  	v18 =	vld [tilespmem:s22+$0xFFFFFFA0];
	v17 =	vbroadcast v17, $0x0;
	_ =	sdelay $0x1  }
0x18a: {  	v19 =	vadd.s32 v3, v17;
	_ =	sdelay $0x2  }
0x18b: {  	v18 =	vmul.f32 $5.656854150e+00, v18;
	_ =	sdelay $0x1  }
0x18c: {  	[tilespmem:v19+s16+$0x0] =	vst.idx.msk $0xffff, v18  }
0x18d: {  	v18 =	vld [tilespmem:s22+$0xFFFFFFB0];
	_ =	sdelay $0x1  }
0x18e: {  	v17 =	vadd.s32 v4, v17;
	_ =	sdelay $0x1  }
0x18f: {  	s26 =	sadd.s32 $0xFFFFFFFB, s23  }
0x190: {  	v19 =	vmov s26;
	v18 =	vmul.f32 $5.656854150e+00, v18  }
0x191: {  	v19 =	vshrl.u32 v19, $0x3  }
0x192: {  	[tilespmem:v17+s16+$0x0] =	vst.idx.msk $0xffff, v18;
	v17 =	vshll.u32 v19, v1  }
0x193: {  	v18 =	vld [tilespmem:s22+$0xFFFFFFC0];
	v17 =	vbroadcast v17, $0x0;
	_ =	sdelay $0x1  }
0x194: {  	v19 =	vadd.s32 v5, v17;
	_ =	sdelay $0x2  }
0x195: {  	v18 =	vmul.f32 $5.656854150e+00, v18;
	_ =	sdelay $0x1  }
0x196: {  	[tilespmem:v19+s16+$0x0] =	vst.idx.msk $0xffff, v18  }
0x197: {  	v18 =	vld [tilespmem:s22+$0xFFFFFFD0];
	_ =	sdelay $0x1  }
0x198: {  	v17 =	vadd.s32 v6, v17;
	_ =	sdelay $0x1  }
0x199: {  	s26 =	sadd.s32 $0xFFFFFFFC, s23  }
0x19a: {  	v19 =	vmov s26;
	v18 =	vmul.f32 $5.656854150e+00, v18  }
0x19b: {  	v19 =	vshrl.u32 v19, $0x3  }
0x19c: {  	[tilespmem:v17+s16+$0x0] =	vst.idx.msk $0xffff, v18;
	v17 =	vshll.u32 v19, v1  }
0x19d: {  	v18 =	vld [tilespmem:s22+$0xFFFFFFE0];
	v17 =	vbroadcast v17, $0x0;
	_ =	sdelay $0x1  }
0x19e: {  	v19 =	vadd.s32 v7, v17;
	_ =	sdelay $0x2  }
0x19f: {  	v18 =	vmul.f32 $5.656854150e+00, v18;
	_ =	sdelay $0x1  }
0x1a0: {  	[tilespmem:v19+s16+$0x0] =	vst.idx.msk $0xffff, v18  }
0x1a1: {  	v18 =	vld [tilespmem:s22+$0xFFFFFFF0];
	_ =	sdelay $0x1  }
0x1a2: {  	v17 =	vadd.s32 v8, v17;
	_ =	sdelay $0x1  }
0x1a3: {  	s26 =	sadd.s32 $0xFFFFFFFD, s23  }
0x1a4: {  	v19 =	vmov s26;
	v18 =	vmul.f32 $5.656854150e+00, v18  }
0x1a5: {  	v19 =	vshrl.u32 v19, $0x3  }
0x1a6: {  	[tilespmem:v17+s16+$0x0] =	vst.idx.msk $0xffff, v18;
	v17 =	vshll.u32 v19, v1  }
0x1a7: {  	v18 =	vld [tilespmem:s22+$0x0];
	v17 =	vbroadcast v17, $0x0;
	_ =	sdelay $0x1  }
0x1a8: {  	v19 =	vadd.s32 v9, v17;
	_ =	sdelay $0x2  }
0x1a9: {  	v18 =	vmul.f32 $5.656854150e+00, v18;
	_ =	sdelay $0x1  }
0x1aa: {  	[tilespmem:v19+s16+$0x0] =	vst.idx.msk $0xffff, v18  }
0x1ab: {  	v18 =	vld [tilespmem:s22+$0x10];
	_ =	sdelay $0x1  }
0x1ac: {  	v17 =	vadd.s32 v10, v17;
	_ =	sdelay $0x1  }
0x1ad: {  	s26 =	sadd.s32 $0xFFFFFFFE, s23  }
0x1ae: {  	v19 =	vmov s26;
	v18 =	vmul.f32 $5.656854150e+00, v18  }
0x1af: {  	v19 =	vshrl.u32 v19, $0x3  }
0x1b0: {  	[tilespmem:v17+s16+$0x0] =	vst.idx.msk $0xffff, v18;
	v17 =	vshll.u32 v19, v1  }
0x1b1: {  	v18 =	vld [tilespmem:s22+$0x20];
	v17 =	vbroadcast v17, $0x0;
	_ =	sdelay $0x1  }
0x1b2: {  	v19 =	vadd.s32 v11, v17;
	_ =	sdelay $0x2  }
0x1b3: {  	v18 =	vmul.f32 $5.656854150e+00, v18;
	_ =	sdelay $0x1  }
0x1b4: {  	[tilespmem:v19+s16+$0x0] =	vst.idx.msk $0xffff, v18  }
0x1b5: {  	v18 =	vld [tilespmem:s22+$0x30];
	_ =	sdelay $0x1  }
0x1b6: {  	v17 =	vadd.s32 v12, v17;
	_ =	sdelay $0x1  }
0x1b7: {  	s26 =	sadd.s32 $0xFFFFFFFF, s23  }
0x1b8: {  	v19 =	vmov s26;
	v18 =	vmul.f32 $5.656854150e+00, v18  }
0x1b9: {  	v19 =	vshrl.u32 v19, $0x3  }
0x1ba: {  	[tilespmem:v17+s16+$0x0] =	vst.idx.msk $0xffff, v18;
	v17 =	vshll.u32 v19, v1  }
0x1bb: {  	v18 =	vld [tilespmem:s22+$0x40];
	v17 =	vbroadcast v17, $0x0;
	_ =	sdelay $0x1  }
0x1bc: {  	v19 =	vadd.s32 v13, v17;
	_ =	sdelay $0x2  }
0x1bd: {  	v18 =	vmul.f32 $5.656854150e+00, v18;
	_ =	sdelay $0x1  }
0x1be: {  	[tilespmem:v19+s16+$0x0] =	vst.idx.msk $0xffff, v18  }
0x1bf: {  	v18 =	vld [tilespmem:s22+$0x50];
	_ =	sdelay $0x1  }
0x1c0: {  	v17 =	vadd.s32 v14, v17;
	_ =	sdelay $0x2  }
0x1c1: {  	v19 =	vmov s23;
	s23 =	smov.u32 s25;
	v18 =	vmul.f32 $5.656854150e+00, v18  }
0x1c2: {  	v19 =	vshrl.u32 v19, $0x3  }
0x1c3: {  	[tilespmem:v17+s16+$0x0] =	vst.idx.msk $0xffff, v18;
	v17 =	vshll.u32 v19, v1  }
0x1c4: {  	v18 =	vld [tilespmem:s22+$0x60];
	v17 =	vbroadcast v17, $0x0;
	_ =	sdelay $0x1  }
0x1c5: {  	v19 =	vadd.s32 v15, v17;
	_ =	sdelay $0x2  }
0x1c6: {  	v18 =	vmul.f32 $5.656854150e+00, v18;
	_ =	sdelay $0x1  }
0x1c7: {  	[tilespmem:v19+s16+$0x0] =	vst.idx.msk $0xffff, v18  }
0x1c8: {  	v18 =	vld [tilespmem:s22+$0x70];
	_ =	sdelay $0x1  }
.Ltmp7:
0x1c9: {  	v17 =	vadd.s32 v16, v17;
	(pc) =	sbr.rel @p0 .LBB2_11-.Ltmp7, $4  }
0x1ca: {  	_ = 	snop  }
0x1cb: {  	s25 =	sadd.s32 $0xFFFFFFF9, s23  }
0x1cc: {  	v19 =	vmov s25;
	v18 =	vmul.f32 $5.656854150e+00, v18  }
0x1cd: {  	v19 =	vshrl.u32 v19, $0x3  }
0x1ce: {  	_ =	sdelay $0x3  }
0x1cf: {  	v19 =	vshll.u32 v19, v1;
	[tilespmem:v17+s16+$0x0] =	vst.idx.msk $0xffff, v18;
	s22 =	sadd.s32 $0x100, s22  }
0x1d0: {  	v17 =	vld [tilespmem:s22+$0xFFFFFF80];
	v18 =	vbroadcast v19, $0x0;
	_ =	sdelay $0x1  }
0x1d1: {  	v19 =	vadd.s32 v0, v18;
	_ =	sdelay $0x2  }
0x1d2: {  	v17 =	vmul.f32 $5.656854150e+00, v17;
	_ =	sdelay $0x1  }
0x1d3: {  	[tilespmem:v19+s16+$0x0] =	vst.idx.msk $0xffff, v17  }
0x1d4: {  	v17 =	vld [tilespmem:s22+$0xFFFFFF90];
	_ =	sdelay $0x1  }
0x1d5: {  	v18 =	vadd.s32 v2, v18;
	_ =	sdelay $0x1  }
0x1d6: {  	s24 =	sadd.s32 $0xFFFFFFFA, s23  }
0x1d7: {  	v19 =	vmov s24;
	v17 =	vmul.f32 $5.656854150e+00, v17  }
0x1d8: {  	v19 =	vshrl.u32 v19, $0x3  }
0x1d9: {  	[tilespmem:v18+s16+$0x0] =	vst.idx.msk $0xffff, v17;
	v17 =	vshll.u32 v19, v1  }
0x1da: {  	v18 =	vld [tilespmem:s22+$0xFFFFFFA0];
	v17 =	vbroadcast v17, $0x0;
	_ =	sdelay $0x1  }
0x1db: {  	v19 =	vadd.s32 v3, v17;
	_ =	sdelay $0x2  }
0x1dc: {  	v18 =	vmul.f32 $5.656854150e+00, v18;
	_ =	sdelay $0x1  }
0x1dd: {  	[tilespmem:v19+s16+$0x0] =	vst.idx.msk $0xffff, v18  }
0x1de: {  	v18 =	vld [tilespmem:s22+$0xFFFFFFB0];
	_ =	sdelay $0x1  }
0x1df: {  	v17 =	vadd.s32 v4, v17;
	_ =	sdelay $0x1  }
0x1e0: {  	s25 =	sadd.s32 $0xFFFFFFFB, s23  }
0x1e1: {  	v19 =	vmov s25;
	v18 =	vmul.f32 $5.656854150e+00, v18  }
0x1e2: {  	v19 =	vshrl.u32 v19, $0x3  }
0x1e3: {  	[tilespmem:v17+s16+$0x0] =	vst.idx.msk $0xffff, v18;
	v17 =	vshll.u32 v19, v1  }
0x1e4: {  	v18 =	vld [tilespmem:s22+$0xFFFFFFC0];
	v17 =	vbroadcast v17, $0x0;
	_ =	sdelay $0x1  }
0x1e5: {  	v19 =	vadd.s32 v5, v17;
	_ =	sdelay $0x2  }
0x1e6: {  	v18 =	vmul.f32 $5.656854150e+00, v18;
	_ =	sdelay $0x1  }
0x1e7: {  	[tilespmem:v19+s16+$0x0] =	vst.idx.msk $0xffff, v18  }
0x1e8: {  	v18 =	vld [tilespmem:s22+$0xFFFFFFD0];
	_ =	sdelay $0x1  }
0x1e9: {  	v17 =	vadd.s32 v6, v17;
	_ =	sdelay $0x1  }
0x1ea: {  	s26 =	sadd.s32 $0xFFFFFFFC, s23  }
0x1eb: {  	v19 =	vmov s26;
	v18 =	vmul.f32 $5.656854150e+00, v18  }
0x1ec: {  	v19 =	vshrl.u32 v19, $0x3  }
0x1ed: {  	[tilespmem:v17+s16+$0x0] =	vst.idx.msk $0xffff, v18;
	v17 =	vshll.u32 v19, v1  }
0x1ee: {  	v18 =	vld [tilespmem:s22+$0xFFFFFFE0];
	v17 =	vbroadcast v17, $0x0;
	_ =	sdelay $0x1  }
0x1ef: {  	v19 =	vadd.s32 v7, v17;
	_ =	sdelay $0x2  }
0x1f0: {  	v18 =	vmul.f32 $5.656854150e+00, v18;
	_ =	sdelay $0x1  }
0x1f1: {  	[tilespmem:v19+s16+$0x0] =	vst.idx.msk $0xffff, v18  }
0x1f2: {  	v18 =	vld [tilespmem:s22+$0xFFFFFFF0];
	_ =	sdelay $0x1  }
0x1f3: {  	v17 =	vadd.s32 v8, v17;
	_ =	sdelay $0x1  }
0x1f4: {  	s28 =	sadd.s32 $0xFFFFFFFD, s23  }
0x1f5: {  	v19 =	vmov s28;
	v18 =	vmul.f32 $5.656854150e+00, v18  }
0x1f6: {  	v19 =	vshrl.u32 v19, $0x3  }
0x1f7: {  	[tilespmem:v17+s16+$0x0] =	vst.idx.msk $0xffff, v18;
	v17 =	vshll.u32 v19, v1  }
0x1f8: {  	v18 =	vld [tilespmem:s22+$0x0];
	v17 =	vbroadcast v17, $0x0;
	_ =	sdelay $0x1  }
0x1f9: {  	v19 =	vadd.s32 v9, v17;
	_ =	sdelay $0x2  }
0x1fa: {  	v18 =	vmul.f32 $5.656854150e+00, v18;
	_ =	sdelay $0x1  }
0x1fb: {  	[tilespmem:v19+s16+$0x0] =	vst.idx.msk $0xffff, v18  }
0x1fc: {  	v18 =	vld [tilespmem:s22+$0x10];
	_ =	sdelay $0x1  }
0x1fd: {  	v17 =	vadd.s32 v10, v17;
	_ =	sdelay $0x1  }
0x1fe: {  	s29 =	sadd.s32 $0xFFFFFFFE, s23  }
0x1ff: {  	v19 =	vmov s29;
	v18 =	vmul.f32 $5.656854150e+00, v18  }
0x200: {  	v19 =	vshrl.u32 v19, $0x3  }
0x201: {  	[tilespmem:v17+s16+$0x0] =	vst.idx.msk $0xffff, v18;
	v17 =	vshll.u32 v19, v1  }
0x202: {  	v18 =	vld [tilespmem:s22+$0x20];
	v17 =	vbroadcast v17, $0x0;
	_ =	sdelay $0x1  }
0x203: {  	v19 =	vadd.s32 v11, v17;
	_ =	sdelay $0x2  }
0x204: {  	v18 =	vmul.f32 $5.656854150e+00, v18;
	_ =	sdelay $0x1  }
0x205: {  	[tilespmem:v19+s16+$0x0] =	vst.idx.msk $0xffff, v18  }
0x206: {  	v18 =	vld [tilespmem:s22+$0x30];
	_ =	sdelay $0x1  }
0x207: {  	v17 =	vadd.s32 v12, v17;
	_ =	sdelay $0x1  }
0x208: {  	s30 =	sadd.s32 $0xFFFFFFFF, s23  }
0x209: {  	v19 =	vmov s30;
	v18 =	vmul.f32 $5.656854150e+00, v18  }
0x20a: {  	v19 =	vshrl.u32 v19, $0x3  }
0x20b: {  	[tilespmem:v17+s16+$0x0] =	vst.idx.msk $0xffff, v18;
	v17 =	vshll.u32 v19, v1  }
0x20c: {  	v18 =	vld [tilespmem:s22+$0x40];
	v17 =	vbroadcast v17, $0x0;
	_ =	sdelay $0x1  }
0x20d: {  	v19 =	vadd.s32 v13, v17;
	_ =	sdelay $0x2  }
0x20e: {  	v18 =	vmul.f32 $5.656854150e+00, v18;
	_ =	sdelay $0x1  }
0x20f: {  	[tilespmem:v19+s16+$0x0] =	vst.idx.msk $0xffff, v18  }
0x210: {  	v18 =	vld [tilespmem:s22+$0x50];
	_ =	sdelay $0x1  }
0x211: {  	v17 =	vadd.s32 v14, v17;
	_ =	sdelay $0x2  }
0x212: {  	v19 =	vmov s23;
	v18 =	vmul.f32 $5.656854150e+00, v18  }
0x213: {  	v19 =	vshrl.u32 v19, $0x3  }
0x214: {  	[tilespmem:v17+s16+$0x0] =	vst.idx.msk $0xffff, v18;
	v17 =	vshll.u32 v19, v1  }
0x215: {  	v18 =	vld [tilespmem:s22+$0x60];
	v17 =	vbroadcast v17, $0x0;
	_ =	sdelay $0x1  }
0x216: {  	v19 =	vadd.s32 v15, v17;
	_ =	sdelay $0x2  }
0x217: {  	v18 =	vmul.f32 $5.656854150e+00, v18;
	_ =	sdelay $0x1  }
0x218: {  	[tilespmem:v19+s16+$0x0] =	vst.idx.msk $0xffff, v18  }
0x219: {  	s21 =	sadd.s32 s21, s3;
	v18 =	vld [tilespmem:s22+$0x70]  }
0x21a: {  	s21 =	sadd.s32 $0x200, s21  }
0x21b: {  	s31 =	sshll.u32 s21, $0x5;
	v17 =	vadd.s32 v16, v17  }
0x21c: {  	s21 =	sand.u32 $0xE00, s21;
	s22 =	sand.u32 $0x7FFE0000, s31  }
0x21d: {  	s21 =	sor.u32 s21, s22  }
0x21e: {  	s21 =	sshrl.u32 s21, $0x3;
	v18 =	vmul.f32 $5.656854150e+00, v18  }
0x21f: {  	s24 =	simm.s32 $0x12708;
	s21 =	sadd.s32 s5, s21  }
0x220: {  	s23 =	simm.s32 $0x200;
	s22 =	simm.s32 $0x12500;
	s25 =	sadd.s32 $0x0, s21;
	[tilespmem:v17+s16+$0x0] =	vst.idx.msk $0xffff, v18  }
.LBB2_13:
0x221: {  	[hbm4b:s25+s2] =	stream.linear.scatter [tilespmem:s22], [sflag:$0x4], $0x200, $0x38;
	[tilespmem:$0x16600] =	vst v63  }
0x222: {  	s25 =	smov.u32 s23;
	s22 =	smov.u32 s24;
	p0 =	sne.s32 s23, $0x3E00  }
.Ltmp8:
0x223: {  	s23 =	sadd.s32 $0x200, s23;
	(pc) =	sbr.rel @p0 .LBB2_13-.Ltmp8, $2  }
0x224: {  	_ =	sdelay $0x2  }
0x225: {  	s24 =	sadd.s32 $0x208, s24;
	s25 =	sadd.s32 s25, s21  }
0x226: {  	p0 =	seq.s32 s19, $0x18  }
.Ltmp9:
0x227: {  	_ = 	snop;
	(pc) =	sbr.rel @p0 .LBB2_16-.Ltmp9, $2  }
0x228: {  	_ =	sdelay $0x2  }
0x229: {  	[hbm4b:s25+s2] =	stream.linear.scatter [tilespmem:s22], [sflag:$0x4], $0x200, $0x38;
	[tilespmem:$0x16600] =	vst v63  }
.Ltmp10:
0x22a: {  	(pc) =	sbr.rel .LBB2_2-.Ltmp10, $4  }
0x22b: {  	_ = 	snop  }
0x22c: {  	s20 =	sshrl.u32 s20, $0x2  }
0x22d: {  	s19 =	sadd.s32 $0x1, s19;
	s20 =	sadd.s32 $0x600, s20  }
0x22e: {  	[tilespmem:s11], [sflag:$0x2] =	stream.indirect.gather [hbm4b:s4+s9], $0x20, s20, s9, $0xb8;
	[tilespmem:$0x16600] =	vst v63  }
.LBB2_17:
0x22f: {  	_ =	sfence.sel $0x180000  }
0x230: {  	[bflag:$0x0] =	sbarrier.arrive $0xFFFF  }
0x231: {  	p0 =	sne.s32 s0, $0x0;
	_ =	strace $0x90000047  }
0x232: {  	s0 =	sadd.s32 @!p0 $0x100000, s1;
	[bflag:$0x2] =	sbarrier.arrive $0xFFFF  }
0x233: {  	[sflag:s0] =	ssyncadd.tile.s32 @!p0 $0x1;
	_ =	shalt  }
.Lfunc_end2:
_tile_overlayer_lowered:
.L_overlay_start_2:
0x234: {  	(tag) =	ssettag $0x2  }
0x235: {  	s0 =	rddreg [dreg:$0x0];
	s2 =	stileid.u32  }
0x236: {  	s1 =	rddreg [dreg:$0x1];
	p0 =	sne.s32 s2, $0x0  }
0x237: {  	s3 =	rddreg [dreg:$0x2];
	[bflag:$0x3] =	sbarrier.arrive $0xFFFF;
	s2 =	simm.s32 @!p0 $0x1C05  }
0x238: {  	[timem:s3], [sflag:s2] =	dma.local @!p0 [hbm:s0], s1  }
0x239: {  	s0 =	simm.s32 @!p0 $0x5  }
0x23a: {  	_ =	swait.ge @!p0 [sflag:s0], s1  }
0x23b: {  	s1 =	ssub.s32 @!p0 $0x0, s1;
	[sflag:s0] =	ssyncset.done @!p0 $0x0  }
0x23c: {  	[sflag:s0] =	ssyncadd.s32 @!p0 s1  }
0x23d: {  	[bflag:$0x3] =	sbarrier.arrive $0xFFFF  }
0x23e: {  	_ =	shalt  }

</sc_bundles>
